<compile_context>
chip_gen: v7x
topology: tpu7x:2x2x1
jax: 0.10.2.dev20260603
libtpu: 0.0.44.dev20260713+nightly
codegen_flags: <defaults>
</compile_context>

<pallas_src>
import jax
import jax.numpy as jnp
from jax import lax
from jax.experimental import pallas as pl
from jax.experimental.pallas import tpu as pltpu

_TCHUNK = 16
_NBUF = 4


def _make_body(m, n, ntiles):
    nchunks = ntiles // _TCHUNK

    def body(a_hbm, w_ref, b_ref, o_ref, abuf, sems):
        def start(c, slot):
            @pl.when(c < nchunks)
            def _():
                pltpu.make_async_copy(
                    a_hbm.at[:, pl.ds(c * _TCHUNK, _TCHUNK)],
                    abuf.at[slot],
                    sems.at[slot],
                ).start()

        for t in range(_NBUF):
            start(jnp.int32(t), t)

        def group(g, acc):
            for t in range(_NBUF):
                i = g * _NBUF + t
                pltpu.make_async_copy(
                    a_hbm.at[:, pl.ds(0, _TCHUNK)], abuf.at[t], sems.at[t]
                ).wait()
                for tt in range(_TCHUNK):
                    acc = acc + lax.dot_general(
                        abuf[t, :, tt].reshape(m, 128),
                        w_ref[pl.ds((i * _TCHUNK + tt) * 128, 128), :],
                        (((1,), (0,)), ((), ())),
                        preferred_element_type=jnp.float32,
                    )
                start(i + _NBUF, t)
            return acc

        acc = jnp.broadcast_to(b_ref[...], (m, n)).astype(jnp.float32)
        acc = lax.fori_loop(0, nchunks // _NBUF, group, acc)
        o_ref[...] = acc

    return body


def kernel(inputs, w, b):
    m, kdim = inputs.shape
    n = w.shape[1]
    ktile = 128 * _TCHUNK * _NBUF
    kpad = ((kdim + ktile - 1) // ktile) * ktile
    ntiles = kpad // 128
    mg = m // 16

    a5 = (
        jnp.pad(inputs.astype(jnp.bfloat16), ((0, 0), (0, kpad - kdim)))
        .reshape(mg, 16, ntiles, 128)
        .transpose(0, 2, 1, 3)
    )
    w_pad = jnp.pad(w, ((0, kpad - kdim), (0, 0))).astype(jnp.bfloat16)
    b2 = b.reshape(1, n)

    out = pl.pallas_call(
        _make_body(m, n, ntiles),
        in_specs=[
            pl.BlockSpec(memory_space=pltpu.HBM),
            pl.BlockSpec(memory_space=pltpu.VMEM),
            pl.BlockSpec(memory_space=pltpu.VMEM),
        ],
        out_specs=pl.BlockSpec(memory_space=pltpu.VMEM),
        out_shape=jax.ShapeDtypeStruct((m, n), jnp.float32),
        scratch_shapes=[
            pltpu.VMEM((_NBUF, mg, _TCHUNK, 16, 128), jnp.bfloat16),
            pltpu.SemaphoreType.DMA((_NBUF,)),
        ],
    )(a5, w_pad, b2)
    return out

# --- scband reference (transcript-rebuilt; emitter-appended) ---
"""Pipeline reference for scband-playlist-embedding-77421080477871 (READ-ONLY COPY).

The authoritative reference and input builder live on the scoring server;
editing this copy changes nothing except your own understanding.
"""

import jax, jax.numpy as jnp
import numpy as np

VOCAB = 81616
DIM = 32
BATCH = 1024

def setup_inputs(seed: int = 0) -> dict:
    key = jax.random.key(seed)
    k1, k2 = jax.random.split(key)
    # The original layer receives a SparseTensor and densifies it; we materialize
    # the dense multi-hot-like matrix directly.
    inputs = jax.random.uniform(k1, (BATCH, VOCAB), dtype=jnp.float32)
    w = jax.random.normal(k2, (VOCAB, DIM), dtype=jnp.float32) * 0.05  # random_normal_initializer default stddev=0.05
    b = jnp.zeros((DIM,), dtype=jnp.float32)
    return {"inputs": inputs, "w": w, "b": b}

def reference(inputs, w, b):
    # tf.linalg.matmul(tf.sparse.to_dense(inputs), self.w) + self.b
    return jnp.matmul(inputs, w) + b

if __name__ == "__main__":
    import jax
    _d = setup_inputs()
    print(jax.jit(kernel)(*tuple(_d.values())))

</pallas_src>

<mosaic_0001>
module attributes {stable_mosaic.version = 14 : i64} {
  func.func @body(%arg0: memref<64x640x16x128xbf16, #tpu.memory_space<hbm>>, %arg1: memref<81920x32xbf16, #tpu.memory_space<vmem>>, %arg2: memref<1x32xf32, #tpu.memory_space<vmem>>, %arg3: memref<1024x32xf32, #tpu.memory_space<vmem>>, %arg4: memref<4x64x16x16x128xbf16, #tpu.memory_space<vmem>>, %arg5: memref<4x!tpu.dma_semaphore, #tpu.memory_space<semaphore_mem>>) attributes {dimension_semantics = [], scalar_prefetch = 0 : i64, scratch_operands = 2 : i64, tpu.core_type = #tpu.core_type<tc>} {
    %lt3A = arith.constant 0 : i32
    %lt3A_0 = arith.constant 40 : i32
    %lt3A_1 = arith.cmpi slt, %lt3A, %lt3A_0 : i32
    %convert_element_type3A = arith.extui %lt3A_1 : i1 to i32
    %cond3A = arith.constant 0 : i32
    %cond3A_2 = arith.constant 0 : i32
    %cond3A_3 = arith.cmpi ne, %convert_element_type3A, %cond3A_2 : i32
    scf.if %cond3A_3 {
      %mul3A = arith.constant 16 : i32
      %mul3A_35 = arith.muli %cond3A, %mul3A : i32
      %dma_start3A = arith.constant 0 : i32
      %dma_start3A_36 = arith.constant 0 : i32
      %dma_start3A_37 = tpu.memref_slice %arg5[%dma_start3A_36] : memref<4x!tpu.dma_semaphore, #tpu.memory_space<semaphore_mem>> -> memref<1x!tpu.dma_semaphore, #tpu.memory_space<semaphore_mem>>
      %dma_start3A_38 = tpu.memref_squeeze %dma_start3A_37 : memref<1x!tpu.dma_semaphore, #tpu.memory_space<semaphore_mem>> -> memref<!tpu.dma_semaphore, #tpu.memory_space<semaphore_mem>>
      %dma_start3A_39 = arith.constant 0 : i32
      %dma_start3A_40 = arith.constant 0 : i32
      %dma_start3A_41 = arith.constant 0 : i32
      %dma_start3A_42 = arith.constant 0 : i32
      %dma_start3A_43 = tpu.memref_slice %arg4[%dma_start3A, %dma_start3A_39, %dma_start3A_40, %dma_start3A_41, %dma_start3A_42] : memref<4x64x16x16x128xbf16, #tpu.memory_space<vmem>> -> memref<1x64x16x16x128xbf16, #tpu.memory_space<vmem>>
      %dma_start3A_44 = tpu.memref_squeeze %dma_start3A_43 : memref<1x64x16x16x128xbf16, #tpu.memory_space<vmem>> -> memref<64x16x16x128xbf16, #tpu.memory_space<vmem>>
      %dma_start3A_45 = arith.constant 0 : i32
      %dma_start3A_46 = arith.constant 0 : i32
      %dma_start3A_47 = arith.constant 0 : i32
      %dma_start3A_48 = tpu.memref_slice %arg0[%dma_start3A_45, %mul3A_35, %dma_start3A_46, %dma_start3A_47] : memref<64x640x16x128xbf16, #tpu.memory_space<hbm>> -> memref<64x16x16x128xbf16, #tpu.memory_space<hbm>>
      tpu.enqueue_dma source(%dma_start3A_48 : memref<64x16x16x128xbf16, #tpu.memory_space<hbm>>) target(%dma_start3A_44 : memref<64x16x16x128xbf16, #tpu.memory_space<vmem>>) target_semaphore(%dma_start3A_38 : memref<!tpu.dma_semaphore, #tpu.memory_space<semaphore_mem>>)
    } else {
    }
    %lt3A_4 = arith.constant 1 : i32
    %lt3A_5 = arith.constant 40 : i32
    %lt3A_6 = arith.cmpi slt, %lt3A_4, %lt3A_5 : i32
    %convert_element_type3A_7 = arith.extui %lt3A_6 : i1 to i32
    %cond3A_8 = arith.constant 1 : i32
    %cond3A_9 = arith.constant 0 : i32
    %cond3A_10 = arith.cmpi ne, %convert_element_type3A_7, %cond3A_9 : i32
    scf.if %cond3A_10 {
      %mul3A = arith.constant 16 : i32
      %mul3A_35 = arith.muli %cond3A_8, %mul3A : i32
      %dma_start3A = arith.constant 1 : i32
      %dma_start3A_36 = arith.constant 1 : i32
      %dma_start3A_37 = tpu.memref_slice %arg5[%dma_start3A_36] : memref<4x!tpu.dma_semaphore, #tpu.memory_space<semaphore_mem>> -> memref<1x!tpu.dma_semaphore, #tpu.memory_space<semaphore_mem>>
      %dma_start3A_38 = tpu.memref_squeeze %dma_start3A_37 : memref<1x!tpu.dma_semaphore, #tpu.memory_space<semaphore_mem>> -> memref<!tpu.dma_semaphore, #tpu.memory_space<semaphore_mem>>
      %dma_start3A_39 = arith.constant 0 : i32
      %dma_start3A_40 = arith.constant 0 : i32
      %dma_start3A_41 = arith.constant 0 : i32
      %dma_start3A_42 = arith.constant 0 : i32
      %dma_start3A_43 = tpu.memref_slice %arg4[%dma_start3A, %dma_start3A_39, %dma_start3A_40, %dma_start3A_41, %dma_start3A_42] : memref<4x64x16x16x128xbf16, #tpu.memory_space<vmem>> -> memref<1x64x16x16x128xbf16, #tpu.memory_space<vmem>>
      %dma_start3A_44 = tpu.memref_squeeze %dma_start3A_43 : memref<1x64x16x16x128xbf16, #tpu.memory_space<vmem>> -> memref<64x16x16x128xbf16, #tpu.memory_space<vmem>>
      %dma_start3A_45 = arith.constant 0 : i32
      %dma_start3A_46 = arith.constant 0 : i32
      %dma_start3A_47 = arith.constant 0 : i32
      %dma_start3A_48 = tpu.memref_slice %arg0[%dma_start3A_45, %mul3A_35, %dma_start3A_46, %dma_start3A_47] : memref<64x640x16x128xbf16, #tpu.memory_space<hbm>> -> memref<64x16x16x128xbf16, #tpu.memory_space<hbm>>
      tpu.enqueue_dma source(%dma_start3A_48 : memref<64x16x16x128xbf16, #tpu.memory_space<hbm>>) target(%dma_start3A_44 : memref<64x16x16x128xbf16, #tpu.memory_space<vmem>>) target_semaphore(%dma_start3A_38 : memref<!tpu.dma_semaphore, #tpu.memory_space<semaphore_mem>>)
    } else {
    }
    %lt3A_11 = arith.constant 2 : i32
    %lt3A_12 = arith.constant 40 : i32
    %lt3A_13 = arith.cmpi slt, %lt3A_11, %lt3A_12 : i32
    %convert_element_type3A_14 = arith.extui %lt3A_13 : i1 to i32
    %cond3A_15 = arith.constant 2 : i32
    %cond3A_16 = arith.constant 0 : i32
    %cond3A_17 = arith.cmpi ne, %convert_element_type3A_14, %cond3A_16 : i32
    scf.if %cond3A_17 {
      %mul3A = arith.constant 16 : i32
      %mul3A_35 = arith.muli %cond3A_15, %mul3A : i32
      %dma_start3A = arith.constant 2 : i32
      %dma_start3A_36 = arith.constant 2 : i32
      %dma_start3A_37 = tpu.memref_slice %arg5[%dma_start3A_36] : memref<4x!tpu.dma_semaphore, #tpu.memory_space<semaphore_mem>> -> memref<1x!tpu.dma_semaphore, #tpu.memory_space<semaphore_mem>>
      %dma_start3A_38 = tpu.memref_squeeze %dma_start3A_37 : memref<1x!tpu.dma_semaphore, #tpu.memory_space<semaphore_mem>> -> memref<!tpu.dma_semaphore, #tpu.memory_space<semaphore_mem>>
      %dma_start3A_39 = arith.constant 0 : i32
      %dma_start3A_40 = arith.constant 0 : i32
      %dma_start3A_41 = arith.constant 0 : i32
      %dma_start3A_42 = arith.constant 0 : i32
      %dma_start3A_43 = tpu.memref_slice %arg4[%dma_start3A, %dma_start3A_39, %dma_start3A_40, %dma_start3A_41, %dma_start3A_42] : memref<4x64x16x16x128xbf16, #tpu.memory_space<vmem>> -> memref<1x64x16x16x128xbf16, #tpu.memory_space<vmem>>
      %dma_start3A_44 = tpu.memref_squeeze %dma_start3A_43 : memref<1x64x16x16x128xbf16, #tpu.memory_space<vmem>> -> memref<64x16x16x128xbf16, #tpu.memory_space<vmem>>
      %dma_start3A_45 = arith.constant 0 : i32
      %dma_start3A_46 = arith.constant 0 : i32
      %dma_start3A_47 = arith.constant 0 : i32
      %dma_start3A_48 = tpu.memref_slice %arg0[%dma_start3A_45, %mul3A_35, %dma_start3A_46, %dma_start3A_47] : memref<64x640x16x128xbf16, #tpu.memory_space<hbm>> -> memref<64x16x16x128xbf16, #tpu.memory_space<hbm>>
      tpu.enqueue_dma source(%dma_start3A_48 : memref<64x16x16x128xbf16, #tpu.memory_space<hbm>>) target(%dma_start3A_44 : memref<64x16x16x128xbf16, #tpu.memory_space<vmem>>) target_semaphore(%dma_start3A_38 : memref<!tpu.dma_semaphore, #tpu.memory_space<semaphore_mem>>)
    } else {
    }
    %lt3A_18 = arith.constant 3 : i32
    %lt3A_19 = arith.constant 40 : i32
    %lt3A_20 = arith.cmpi slt, %lt3A_18, %lt3A_19 : i32
    %convert_element_type3A_21 = arith.extui %lt3A_20 : i1 to i32
    %cond3A_22 = arith.constant 3 : i32
    %cond3A_23 = arith.constant 0 : i32
    %cond3A_24 = arith.cmpi ne, %convert_element_type3A_21, %cond3A_23 : i32
    scf.if %cond3A_24 {
      %mul3A = arith.constant 16 : i32
      %mul3A_35 = arith.muli %cond3A_22, %mul3A : i32
      %dma_start3A = arith.constant 3 : i32
      %dma_start3A_36 = arith.constant 3 : i32
      %dma_start3A_37 = tpu.memref_slice %arg5[%dma_start3A_36] : memref<4x!tpu.dma_semaphore, #tpu.memory_space<semaphore_mem>> -> memref<1x!tpu.dma_semaphore, #tpu.memory_space<semaphore_mem>>
      %dma_start3A_38 = tpu.memref_squeeze %dma_start3A_37 : memref<1x!tpu.dma_semaphore, #tpu.memory_space<semaphore_mem>> -> memref<!tpu.dma_semaphore, #tpu.memory_space<semaphore_mem>>
      %dma_start3A_39 = arith.constant 0 : i32
      %dma_start3A_40 = arith.constant 0 : i32
      %dma_start3A_41 = arith.constant 0 : i32
      %dma_start3A_42 = arith.constant 0 : i32
      %dma_start3A_43 = tpu.memref_slice %arg4[%dma_start3A, %dma_start3A_39, %dma_start3A_40, %dma_start3A_41, %dma_start3A_42] : memref<4x64x16x16x128xbf16, #tpu.memory_space<vmem>> -> memref<1x64x16x16x128xbf16, #tpu.memory_space<vmem>>
      %dma_start3A_44 = tpu.memref_squeeze %dma_start3A_43 : memref<1x64x16x16x128xbf16, #tpu.memory_space<vmem>> -> memref<64x16x16x128xbf16, #tpu.memory_space<vmem>>
      %dma_start3A_45 = arith.constant 0 : i32
      %dma_start3A_46 = arith.constant 0 : i32
      %dma_start3A_47 = arith.constant 0 : i32
      %dma_start3A_48 = tpu.memref_slice %arg0[%dma_start3A_45, %mul3A_35, %dma_start3A_46, %dma_start3A_47] : memref<64x640x16x128xbf16, #tpu.memory_space<hbm>> -> memref<64x16x16x128xbf16, #tpu.memory_space<hbm>>
      tpu.enqueue_dma source(%dma_start3A_48 : memref<64x16x16x128xbf16, #tpu.memory_space<hbm>>) target(%dma_start3A_44 : memref<64x16x16x128xbf16, #tpu.memory_space<vmem>>) target_semaphore(%dma_start3A_38 : memref<!tpu.dma_semaphore, #tpu.memory_space<semaphore_mem>>)
    } else {
    }
    %get3A = arith.constant 0 : index
    %get3A_25 = arith.constant 0 : index
    %get3A_26 = vector.load %arg2[%get3A, %get3A_25] : memref<1x32xf32, #tpu.memory_space<vmem>>, vector<1x32xf32>
    %broadcast_in_dim3A = vector.shape_cast %get3A_26 : vector<1x32xf32> to vector<1x32xf32>
    %broadcast_in_dim3A_27 = vector.broadcast %broadcast_in_dim3A : vector<1x32xf32> to vector<1024x32xf32>
    %scan3A = arith.constant 0 : i32
    %scan3A_28 = arith.constant 10 : i32
    %scan3A_29 = arith.addi %scan3A, %scan3A_28 : i32
    %scan3A_30 = arith.constant 1 : i32
    %scan3A_31 = scf.for %scan3A_35 = %scan3A to %scan3A_29 step %scan3A_30 iter_args(%scan3A_36 = %broadcast_in_dim3A_27) -> (vector<1024x32xf32>)  : i32 {
      %mul3A = arith.constant 4 : i32
      %mul3A_37 = arith.muli %scan3A_35, %mul3A : i32
      %add3A = arith.constant 0 : i32
      %add3A_38 = arith.addi %mul3A_37, %add3A : i32
      %dma_wait3A = arith.constant 0 : i32
      %dma_wait3A_39 = arith.constant 0 : i32
      %dma_wait3A_40 = tpu.memref_slice %arg5[%dma_wait3A_39] : memref<4x!tpu.dma_semaphore, #tpu.memory_space<semaphore_mem>> -> memref<1x!tpu.dma_semaphore, #tpu.memory_space<semaphore_mem>>
      %dma_wait3A_41 = tpu.memref_squeeze %dma_wait3A_40 : memref<1x!tpu.dma_semaphore, #tpu.memory_space<semaphore_mem>> -> memref<!tpu.dma_semaphore, #tpu.memory_space<semaphore_mem>>
      %dma_wait3A_42 = arith.constant 0 : i32
      %dma_wait3A_43 = arith.constant 0 : i32
      %dma_wait3A_44 = arith.constant 0 : i32
      %dma_wait3A_45 = arith.constant 0 : i32
      %dma_wait3A_46 = tpu.memref_slice %arg4[%dma_wait3A, %dma_wait3A_42, %dma_wait3A_43, %dma_wait3A_44, %dma_wait3A_45] : memref<4x64x16x16x128xbf16, #tpu.memory_space<vmem>> -> memref<1x64x16x16x128xbf16, #tpu.memory_space<vmem>>
      %dma_wait3A_47 = tpu.memref_squeeze %dma_wait3A_46 : memref<1x64x16x16x128xbf16, #tpu.memory_space<vmem>> -> memref<64x16x16x128xbf16, #tpu.memory_space<vmem>>
      %dma_wait3A_48 = arith.constant 0 : i32
      %dma_wait3A_49 = arith.constant 0 : i32
      %dma_wait3A_50 = arith.constant 0 : i32
      %dma_wait3A_51 = arith.constant 0 : i32
      %dma_wait3A_52 = tpu.memref_slice %arg0[%dma_wait3A_48, %dma_wait3A_49, %dma_wait3A_50, %dma_wait3A_51] : memref<64x640x16x128xbf16, #tpu.memory_space<hbm>> -> memref<64x16x16x128xbf16, #tpu.memory_space<hbm>>
      tpu.wait_dma2 semaphore(%dma_wait3A_41 : memref<!tpu.dma_semaphore, #tpu.memory_space<semaphore_mem>>) src(%dma_wait3A_52 : memref<64x16x16x128xbf16, #tpu.memory_space<hbm>>) dst(%dma_wait3A_47 : memref<64x16x16x128xbf16, #tpu.memory_space<vmem>>)
      %get3A_53 = arith.constant 0 : index
      %get3A_54 = arith.constant 0 : index
      %get3A_55 = arith.constant 0 : index
      %get3A_56 = arith.constant 0 : index
      %get3A_57 = arith.constant 0 : index
      %get3A_58 = vector.load %arg4[%get3A_53, %get3A_54, %get3A_55, %get3A_56, %get3A_57] : memref<4x64x16x16x128xbf16, #tpu.memory_space<vmem>>, vector<1x64x1x16x128xbf16>
      %get3A_59 = vector.shape_cast %get3A_58 : vector<1x64x1x16x128xbf16> to vector<64x16x128xbf16>
      %reshape3A = vector.shape_cast %get3A_59 : vector<64x16x128xbf16> to vector<1024x128xbf16>
      %mul3A_60 = arith.constant 16 : i32
      %mul3A_61 = arith.muli %add3A_38, %mul3A_60 : i32
      %add3A_62 = arith.constant 0 : i32
      %add3A_63 = arith.addi %mul3A_61, %add3A_62 : i32
      %mul3A_64 = arith.constant 128 : i32
      %mul3A_65 = arith.muli %add3A_63, %mul3A_64 : i32
      %get3A_66 = arith.index_cast %mul3A_65 : i32 to index
      %get3A_67 = arith.constant 0 : index
      %get3A_68 = vector.load %arg1[%get3A_66, %get3A_67] : memref<81920x32xbf16, #tpu.memory_space<vmem>>, vector<128x32xbf16>
      %dot_general3A = arith.constant dense<0.000000e+00> : vector<1024x32xf32>
      %dot_general3A_69 = tpu.matmul %reshape3A, %get3A_68, %dot_general3A {dimension_numbers = #tpu.dot_dimension_numbers<[1], [0], [0], [1], [0, 0, 1, 1], [], []>, transpose_lhs_hint = false} : vector<1024x128xbf16>, vector<128x32xbf16>, vector<1024x32xf32> -> vector<1024x32xf32>
      %add3A_70 = arith.addf %scan3A_36, %dot_general3A_69 : vector<1024x32xf32>
      %get3A_71 = arith.constant 0 : index
      %get3A_72 = arith.constant 0 : index
      %get3A_73 = arith.constant 1 : index
      %get3A_74 = arith.constant 0 : index
      %get3A_75 = arith.constant 0 : index
      %get3A_76 = vector.load %arg4[%get3A_71, %get3A_72, %get3A_73, %get3A_74, %get3A_75] : memref<4x64x16x16x128xbf16, #tpu.memory_space<vmem>>, vector<1x64x1x16x128xbf16>
      %get3A_77 = vector.shape_cast %get3A_76 : vector<1x64x1x16x128xbf16> to vector<64x16x128xbf16>
      %reshape3A_78 = vector.shape_cast %get3A_77 : vector<64x16x128xbf16> to vector<1024x128xbf16>
      %mul3A_79 = arith.constant 16 : i32
      %mul3A_80 = arith.muli %add3A_38, %mul3A_79 : i32
      %add3A_81 = arith.constant 1 : i32
      %add3A_82 = arith.addi %mul3A_80, %add3A_81 : i32
      %mul3A_83 = arith.constant 128 : i32
      %mul3A_84 = arith.muli %add3A_82, %mul3A_83 : i32
      %get3A_85 = arith.index_cast %mul3A_84 : i32 to index
      %get3A_86 = arith.constant 0 : index
      %get3A_87 = vector.load %arg1[%get3A_85, %get3A_86] : memref<81920x32xbf16, #tpu.memory_space<vmem>>, vector<128x32xbf16>
      %dot_general3A_88 = arith.constant dense<0.000000e+00> : vector<1024x32xf32>
      %dot_general3A_89 = tpu.matmul %reshape3A_78, %get3A_87, %dot_general3A_88 {dimension_numbers = #tpu.dot_dimension_numbers<[1], [0], [0], [1], [0, 0, 1, 1], [], []>, transpose_lhs_hint = false} : vector<1024x128xbf16>, vector<128x32xbf16>, vector<1024x32xf32> -> vector<1024x32xf32>
      %add3A_90 = arith.addf %add3A_70, %dot_general3A_89 : vector<1024x32xf32>
      %get3A_91 = arith.constant 0 : index
      %get3A_92 = arith.constant 0 : index
      %get3A_93 = arith.constant 2 : index
      %get3A_94 = arith.constant 0 : index
      %get3A_95 = arith.constant 0 : index
      %get3A_96 = vector.load %arg4[%get3A_91, %get3A_92, %get3A_93, %get3A_94, %get3A_95] : memref<4x64x16x16x128xbf16, #tpu.memory_space<vmem>>, vector<1x64x1x16x128xbf16>
      %get3A_97 = vector.shape_cast %get3A_96 : vector<1x64x1x16x128xbf16> to vector<64x16x128xbf16>
      %reshape3A_98 = vector.shape_cast %get3A_97 : vector<64x16x128xbf16> to vector<1024x128xbf16>
      %mul3A_99 = arith.constant 16 : i32
      %mul3A_100 = arith.muli %add3A_38, %mul3A_99 : i32
      %add3A_101 = arith.constant 2 : i32
      %add3A_102 = arith.addi %mul3A_100, %add3A_101 : i32
      %mul3A_103 = arith.constant 128 : i32
      %mul3A_104 = arith.muli %add3A_102, %mul3A_103 : i32
      %get3A_105 = arith.index_cast %mul3A_104 : i32 to index
      %get3A_106 = arith.constant 0 : index
      %get3A_107 = vector.load %arg1[%get3A_105, %get3A_106] : memref<81920x32xbf16, #tpu.memory_space<vmem>>, vector<128x32xbf16>
      %dot_general3A_108 = arith.constant dense<0.000000e+00> : vector<1024x32xf32>
      %dot_general3A_109 = tpu.matmul %reshape3A_98, %get3A_107, %dot_general3A_108 {dimension_numbers = #tpu.dot_dimension_numbers<[1], [0], [0], [1], [0, 0, 1, 1], [], []>, transpose_lhs_hint = false} : vector<1024x128xbf16>, vector<128x32xbf16>, vector<1024x32xf32> -> vector<1024x32xf32>
      %add3A_110 = arith.addf %add3A_90, %dot_general3A_109 : vector<1024x32xf32>
      %get3A_111 = arith.constant 0 : index
      %get3A_112 = arith.constant 0 : index
      %get3A_113 = arith.constant 3 : index
      %get3A_114 = arith.constant 0 : index
      %get3A_115 = arith.constant 0 : index
      %get3A_116 = vector.load %arg4[%get3A_111, %get3A_112, %get3A_113, %get3A_114, %get3A_115] : memref<4x64x16x16x128xbf16, #tpu.memory_space<vmem>>, vector<1x64x1x16x128xbf16>
      %get3A_117 = vector.shape_cast %get3A_116 : vector<1x64x1x16x128xbf16> to vector<64x16x128xbf16>
      %reshape3A_118 = vector.shape_cast %get3A_117 : vector<64x16x128xbf16> to vector<1024x128xbf16>
      %mul3A_119 = arith.constant 16 : i32
      %mul3A_120 = arith.muli %add3A_38, %mul3A_119 : i32
      %add3A_121 = arith.constant 3 : i32
      %add3A_122 = arith.addi %mul3A_120, %add3A_121 : i32
      %mul3A_123 = arith.constant 128 : i32
      %mul3A_124 = arith.muli %add3A_122, %mul3A_123 : i32
      %get3A_125 = arith.index_cast %mul3A_124 : i32 to index
      %get3A_126 = arith.constant 0 : index
      %get3A_127 = vector.load %arg1[%get3A_125, %get3A_126] : memref<81920x32xbf16, #tpu.memory_space<vmem>>, vector<128x32xbf16>
      %dot_general3A_128 = arith.constant dense<0.000000e+00> : vector<1024x32xf32>
      %dot_general3A_129 = tpu.matmul %reshape3A_118, %get3A_127, %dot_general3A_128 {dimension_numbers = #tpu.dot_dimension_numbers<[1], [0], [0], [1], [0, 0, 1, 1], [], []>, transpose_lhs_hint = false} : vector<1024x128xbf16>, vector<128x32xbf16>, vector<1024x32xf32> -> vector<1024x32xf32>
      %add3A_130 = arith.addf %add3A_110, %dot_general3A_129 : vector<1024x32xf32>
      %get3A_131 = arith.constant 0 : index
      %get3A_132 = arith.constant 0 : index
      %get3A_133 = arith.constant 4 : index
      %get3A_134 = arith.constant 0 : index
      %get3A_135 = arith.constant 0 : index
      %get3A_136 = vector.load %arg4[%get3A_131, %get3A_132, %get3A_133, %get3A_134, %get3A_135] : memref<4x64x16x16x128xbf16, #tpu.memory_space<vmem>>, vector<1x64x1x16x128xbf16>
      %get3A_137 = vector.shape_cast %get3A_136 : vector<1x64x1x16x128xbf16> to vector<64x16x128xbf16>
      %reshape3A_138 = vector.shape_cast %get3A_137 : vector<64x16x128xbf16> to vector<1024x128xbf16>
      %mul3A_139 = arith.constant 16 : i32
      %mul3A_140 = arith.muli %add3A_38, %mul3A_139 : i32
      %add3A_141 = arith.constant 4 : i32
      %add3A_142 = arith.addi %mul3A_140, %add3A_141 : i32
      %mul3A_143 = arith.constant 128 : i32
      %mul3A_144 = arith.muli %add3A_142, %mul3A_143 : i32
      %get3A_145 = arith.index_cast %mul3A_144 : i32 to index
      %get3A_146 = arith.constant 0 : index
      %get3A_147 = vector.load %arg1[%get3A_145, %get3A_146] : memref<81920x32xbf16, #tpu.memory_space<vmem>>, vector<128x32xbf16>
      %dot_general3A_148 = arith.constant dense<0.000000e+00> : vector<1024x32xf32>
      %dot_general3A_149 = tpu.matmul %reshape3A_138, %get3A_147, %dot_general3A_148 {dimension_numbers = #tpu.dot_dimension_numbers<[1], [0], [0], [1], [0, 0, 1, 1], [], []>, transpose_lhs_hint = false} : vector<1024x128xbf16>, vector<128x32xbf16>, vector<1024x32xf32> -> vector<1024x32xf32>
      %add3A_150 = arith.addf %add3A_130, %dot_general3A_149 : vector<1024x32xf32>
      %get3A_151 = arith.constant 0 : index
      %get3A_152 = arith.constant 0 : index
      %get3A_153 = arith.constant 5 : index
      %get3A_154 = arith.constant 0 : index
      %get3A_155 = arith.constant 0 : index
      %get3A_156 = vector.load %arg4[%get3A_151, %get3A_152, %get3A_153, %get3A_154, %get3A_155] : memref<4x64x16x16x128xbf16, #tpu.memory_space<vmem>>, vector<1x64x1x16x128xbf16>
      %get3A_157 = vector.shape_cast %get3A_156 : vector<1x64x1x16x128xbf16> to vector<64x16x128xbf16>
      %reshape3A_158 = vector.shape_cast %get3A_157 : vector<64x16x128xbf16> to vector<1024x128xbf16>
      %mul3A_159 = arith.constant 16 : i32
      %mul3A_160 = arith.muli %add3A_38, %mul3A_159 : i32
      %add3A_161 = arith.constant 5 : i32
      %add3A_162 = arith.addi %mul3A_160, %add3A_161 : i32
      %mul3A_163 = arith.constant 128 : i32
      %mul3A_164 = arith.muli %add3A_162, %mul3A_163 : i32
      %get3A_165 = arith.index_cast %mul3A_164 : i32 to index
      %get3A_166 = arith.constant 0 : index
      %get3A_167 = vector.load %arg1[%get3A_165, %get3A_166] : memref<81920x32xbf16, #tpu.memory_space<vmem>>, vector<128x32xbf16>
      %dot_general3A_168 = arith.constant dense<0.000000e+00> : vector<1024x32xf32>
      %dot_general3A_169 = tpu.matmul %reshape3A_158, %get3A_167, %dot_general3A_168 {dimension_numbers = #tpu.dot_dimension_numbers<[1], [0], [0], [1], [0, 0, 1, 1], [], []>, transpose_lhs_hint = false} : vector<1024x128xbf16>, vector<128x32xbf16>, vector<1024x32xf32> -> vector<1024x32xf32>
      %add3A_170 = arith.addf %add3A_150, %dot_general3A_169 : vector<1024x32xf32>
      %get3A_171 = arith.constant 0 : index
      %get3A_172 = arith.constant 0 : index
      %get3A_173 = arith.constant 6 : index
      %get3A_174 = arith.constant 0 : index
      %get3A_175 = arith.constant 0 : index
      %get3A_176 = vector.load %arg4[%get3A_171, %get3A_172, %get3A_173, %get3A_174, %get3A_175] : memref<4x64x16x16x128xbf16, #tpu.memory_space<vmem>>, vector<1x64x1x16x128xbf16>
      %get3A_177 = vector.shape_cast %get3A_176 : vector<1x64x1x16x128xbf16> to vector<64x16x128xbf16>
      %reshape3A_178 = vector.shape_cast %get3A_177 : vector<64x16x128xbf16> to vector<1024x128xbf16>
      %mul3A_179 = arith.constant 16 : i32
      %mul3A_180 = arith.muli %add3A_38, %mul3A_179 : i32
      %add3A_181 = arith.constant 6 : i32
      %add3A_182 = arith.addi %mul3A_180, %add3A_181 : i32
      %mul3A_183 = arith.constant 128 : i32
      %mul3A_184 = arith.muli %add3A_182, %mul3A_183 : i32
      %get3A_185 = arith.index_cast %mul3A_184 : i32 to index
      %get3A_186 = arith.constant 0 : index
      %get3A_187 = vector.load %arg1[%get3A_185, %get3A_186] : memref<81920x32xbf16, #tpu.memory_space<vmem>>, vector<128x32xbf16>
      %dot_general3A_188 = arith.constant dense<0.000000e+00> : vector<1024x32xf32>
      %dot_general3A_189 = tpu.matmul %reshape3A_178, %get3A_187, %dot_general3A_188 {dimension_numbers = #tpu.dot_dimension_numbers<[1], [0], [0], [1], [0, 0, 1, 1], [], []>, transpose_lhs_hint = false} : vector<1024x128xbf16>, vector<128x32xbf16>, vector<1024x32xf32> -> vector<1024x32xf32>
      %add3A_190 = arith.addf %add3A_170, %dot_general3A_189 : vector<1024x32xf32>
      %get3A_191 = arith.constant 0 : index
      %get3A_192 = arith.constant 0 : index
      %get3A_193 = arith.constant 7 : index
      %get3A_194 = arith.constant 0 : index
      %get3A_195 = arith.constant 0 : index
      %get3A_196 = vector.load %arg4[%get3A_191, %get3A_192, %get3A_193, %get3A_194, %get3A_195] : memref<4x64x16x16x128xbf16, #tpu.memory_space<vmem>>, vector<1x64x1x16x128xbf16>
      %get3A_197 = vector.shape_cast %get3A_196 : vector<1x64x1x16x128xbf16> to vector<64x16x128xbf16>
      %reshape3A_198 = vector.shape_cast %get3A_197 : vector<64x16x128xbf16> to vector<1024x128xbf16>
      %mul3A_199 = arith.constant 16 : i32
      %mul3A_200 = arith.muli %add3A_38, %mul3A_199 : i32
      %add3A_201 = arith.constant 7 : i32
      %add3A_202 = arith.addi %mul3A_200, %add3A_201 : i32
      %mul3A_203 = arith.constant 128 : i32
      %mul3A_204 = arith.muli %add3A_202, %mul3A_203 : i32
      %get3A_205 = arith.index_cast %mul3A_204 : i32 to index
      %get3A_206 = arith.constant 0 : index
      %get3A_207 = vector.load %arg1[%get3A_205, %get3A_206] : memref<81920x32xbf16, #tpu.memory_space<vmem>>, vector<128x32xbf16>
      %dot_general3A_208 = arith.constant dense<0.000000e+00> : vector<1024x32xf32>
      %dot_general3A_209 = tpu.matmul %reshape3A_198, %get3A_207, %dot_general3A_208 {dimension_numbers = #tpu.dot_dimension_numbers<[1], [0], [0], [1], [0, 0, 1, 1], [], []>, transpose_lhs_hint = false} : vector<1024x128xbf16>, vector<128x32xbf16>, vector<1024x32xf32> -> vector<1024x32xf32>
      %add3A_210 = arith.addf %add3A_190, %dot_general3A_209 : vector<1024x32xf32>
      %get3A_211 = arith.constant 0 : index
      %get3A_212 = arith.constant 0 : index
      %get3A_213 = arith.constant 8 : index
      %get3A_214 = arith.constant 0 : index
      %get3A_215 = arith.constant 0 : index
      %get3A_216 = vector.load %arg4[%get3A_211, %get3A_212, %get3A_213, %get3A_214, %get3A_215] : memref<4x64x16x16x128xbf16, #tpu.memory_space<vmem>>, vector<1x64x1x16x128xbf16>
      %get3A_217 = vector.shape_cast %get3A_216 : vector<1x64x1x16x128xbf16> to vector<64x16x128xbf16>
      %reshape3A_218 = vector.shape_cast %get3A_217 : vector<64x16x128xbf16> to vector<1024x128xbf16>
      %mul3A_219 = arith.constant 16 : i32
      %mul3A_220 = arith.muli %add3A_38, %mul3A_219 : i32
      %add3A_221 = arith.constant 8 : i32
      %add3A_222 = arith.addi %mul3A_220, %add3A_221 : i32
      %mul3A_223 = arith.constant 128 : i32
      %mul3A_224 = arith.muli %add3A_222, %mul3A_223 : i32
      %get3A_225 = arith.index_cast %mul3A_224 : i32 to index
      %get3A_226 = arith.constant 0 : index
      %get3A_227 = vector.load %arg1[%get3A_225, %get3A_226] : memref<81920x32xbf16, #tpu.memory_space<vmem>>, vector<128x32xbf16>
      %dot_general3A_228 = arith.constant dense<0.000000e+00> : vector<1024x32xf32>
      %dot_general3A_229 = tpu.matmul %reshape3A_218, %get3A_227, %dot_general3A_228 {dimension_numbers = #tpu.dot_dimension_numbers<[1], [0], [0], [1], [0, 0, 1, 1], [], []>, transpose_lhs_hint = false} : vector<1024x128xbf16>, vector<128x32xbf16>, vector<1024x32xf32> -> vector<1024x32xf32>
      %add3A_230 = arith.addf %add3A_210, %dot_general3A_229 : vector<1024x32xf32>
      %get3A_231 = arith.constant 0 : index
      %get3A_232 = arith.constant 0 : index
      %get3A_233 = arith.constant 9 : index
      %get3A_234 = arith.constant 0 : index
      %get3A_235 = arith.constant 0 : index
      %get3A_236 = vector.load %arg4[%get3A_231, %get3A_232, %get3A_233, %get3A_234, %get3A_235] : memref<4x64x16x16x128xbf16, #tpu.memory_space<vmem>>, vector<1x64x1x16x128xbf16>
      %get3A_237 = vector.shape_cast %get3A_236 : vector<1x64x1x16x128xbf16> to vector<64x16x128xbf16>
      %reshape3A_238 = vector.shape_cast %get3A_237 : vector<64x16x128xbf16> to vector<1024x128xbf16>
      %mul3A_239 = arith.constant 16 : i32
      %mul3A_240 = arith.muli %add3A_38, %mul3A_239 : i32
      %add3A_241 = arith.constant 9 : i32
      %add3A_242 = arith.addi %mul3A_240, %add3A_241 : i32
      %mul3A_243 = arith.constant 128 : i32
      %mul3A_244 = arith.muli %add3A_242, %mul3A_243 : i32
      %get3A_245 = arith.index_cast %mul3A_244 : i32 to index
      %get3A_246 = arith.constant 0 : index
      %get3A_247 = vector.load %arg1[%get3A_245, %get3A_246] : memref<81920x32xbf16, #tpu.memory_space<vmem>>, vector<128x32xbf16>
      %dot_general3A_248 = arith.constant dense<0.000000e+00> : vector<1024x32xf32>
      %dot_general3A_249 = tpu.matmul %reshape3A_238, %get3A_247, %dot_general3A_248 {dimension_numbers = #tpu.dot_dimension_numbers<[1], [0], [0], [1], [0, 0, 1, 1], [], []>, transpose_lhs_hint = false} : vector<1024x128xbf16>, vector<128x32xbf16>, vector<1024x32xf32> -> vector<1024x32xf32>
      %add3A_250 = arith.addf %add3A_230, %dot_general3A_249 : vector<1024x32xf32>
      %get3A_251 = arith.constant 0 : index
      %get3A_252 = arith.constant 0 : index
      %get3A_253 = arith.constant 10 : index
      %get3A_254 = arith.constant 0 : index
      %get3A_255 = arith.constant 0 : index
      %get3A_256 = vector.load %arg4[%get3A_251, %get3A_252, %get3A_253, %get3A_254, %get3A_255] : memref<4x64x16x16x128xbf16, #tpu.memory_space<vmem>>, vector<1x64x1x16x128xbf16>
      %get3A_257 = vector.shape_cast %get3A_256 : vector<1x64x1x16x128xbf16> to vector<64x16x128xbf16>
      %reshape3A_258 = vector.shape_cast %get3A_257 : vector<64x16x128xbf16> to vector<1024x128xbf16>
      %mul3A_259 = arith.constant 16 : i32
      %mul3A_260 = arith.muli %add3A_38, %mul3A_259 : i32
      %add3A_261 = arith.constant 10 : i32
      %add3A_262 = arith.addi %mul3A_260, %add3A_261 : i32
      %mul3A_263 = arith.constant 128 : i32
      %mul3A_264 = arith.muli %add3A_262, %mul3A_263 : i32
      %get3A_265 = arith.index_cast %mul3A_264 : i32 to index
      %get3A_266 = arith.constant 0 : index
      %get3A_267 = vector.load %arg1[%get3A_265, %get3A_266] : memref<81920x32xbf16, #tpu.memory_space<vmem>>, vector<128x32xbf16>
      %dot_general3A_268 = arith.constant dense<0.000000e+00> : vector<1024x32xf32>
      %dot_general3A_269 = tpu.matmul %reshape3A_258, %get3A_267, %dot_general3A_268 {dimension_numbers = #tpu.dot_dimension_numbers<[1], [0], [0], [1], [0, 0, 1, 1], [], []>, transpose_lhs_hint = false} : vector<1024x128xbf16>, vector<128x32xbf16>, vector<1024x32xf32> -> vector<1024x32xf32>
      %add3A_270 = arith.addf %add3A_250, %dot_general3A_269 : vector<1024x32xf32>
      %get3A_271 = arith.constant 0 : index
      %get3A_272 = arith.constant 0 : index
      %get3A_273 = arith.constant 11 : index
      %get3A_274 = arith.constant 0 : index
      %get3A_275 = arith.constant 0 : index
      %get3A_276 = vector.load %arg4[%get3A_271, %get3A_272, %get3A_273, %get3A_274, %get3A_275] : memref<4x64x16x16x128xbf16, #tpu.memory_space<vmem>>, vector<1x64x1x16x128xbf16>
      %get3A_277 = vector.shape_cast %get3A_276 : vector<1x64x1x16x128xbf16> to vector<64x16x128xbf16>
      %reshape3A_278 = vector.shape_cast %get3A_277 : vector<64x16x128xbf16> to vector<1024x128xbf16>
      %mul3A_279 = arith.constant 16 : i32
      %mul3A_280 = arith.muli %add3A_38, %mul3A_279 : i32
      %add3A_281 = arith.constant 11 : i32
      %add3A_282 = arith.addi %mul3A_280, %add3A_281 : i32
      %mul3A_283 = arith.constant 128 : i32
      %mul3A_284 = arith.muli %add3A_282, %mul3A_283 : i32
      %get3A_285 = arith.index_cast %mul3A_284 : i32 to index
      %get3A_286 = arith.constant 0 : index
      %get3A_287 = vector.load %arg1[%get3A_285, %get3A_286] : memref<81920x32xbf16, #tpu.memory_space<vmem>>, vector<128x32xbf16>
      %dot_general3A_288 = arith.constant dense<0.000000e+00> : vector<1024x32xf32>
      %dot_general3A_289 = tpu.matmul %reshape3A_278, %get3A_287, %dot_general3A_288 {dimension_numbers = #tpu.dot_dimension_numbers<[1], [0], [0], [1], [0, 0, 1, 1], [], []>, transpose_lhs_hint = false} : vector<1024x128xbf16>, vector<128x32xbf16>, vector<1024x32xf32> -> vector<1024x32xf32>
      %add3A_290 = arith.addf %add3A_270, %dot_general3A_289 : vector<1024x32xf32>
      %get3A_291 = arith.constant 0 : index
      %get3A_292 = arith.constant 0 : index
      %get3A_293 = arith.constant 12 : index
      %get3A_294 = arith.constant 0 : index
      %get3A_295 = arith.constant 0 : index
      %get3A_296 = vector.load %arg4[%get3A_291, %get3A_292, %get3A_293, %get3A_294, %get3A_295] : memref<4x64x16x16x128xbf16, #tpu.memory_space<vmem>>, vector<1x64x1x16x128xbf16>
      %get3A_297 = vector.shape_cast %get3A_296 : vector<1x64x1x16x128xbf16> to vector<64x16x128xbf16>
      %reshape3A_298 = vector.shape_cast %get3A_297 : vector<64x16x128xbf16> to vector<1024x128xbf16>
      %mul3A_299 = arith.constant 16 : i32
      %mul3A_300 = arith.muli %add3A_38, %mul3A_299 : i32
      %add3A_301 = arith.constant 12 : i32
      %add3A_302 = arith.addi %mul3A_300, %add3A_301 : i32
      %mul3A_303 = arith.constant 128 : i32
      %mul3A_304 = arith.muli %add3A_302, %mul3A_303 : i32
      %get3A_305 = arith.index_cast %mul3A_304 : i32 to index
      %get3A_306 = arith.constant 0 : index
      %get3A_307 = vector.load %arg1[%get3A_305, %get3A_306] : memref<81920x32xbf16, #tpu.memory_space<vmem>>, vector<128x32xbf16>
      %dot_general3A_308 = arith.constant dense<0.000000e+00> : vector<1024x32xf32>
      %dot_general3A_309 = tpu.matmul %reshape3A_298, %get3A_307, %dot_general3A_308 {dimension_numbers = #tpu.dot_dimension_numbers<[1], [0], [0], [1], [0, 0, 1, 1], [], []>, transpose_lhs_hint = false} : vector<1024x128xbf16>, vector<128x32xbf16>, vector<1024x32xf32> -> vector<1024x32xf32>
      %add3A_310 = arith.addf %add3A_290, %dot_general3A_309 : vector<1024x32xf32>
      %get3A_311 = arith.constant 0 : index
      %get3A_312 = arith.constant 0 : index
      %get3A_313 = arith.constant 13 : index
      %get3A_314 = arith.constant 0 : index
      %get3A_315 = arith.constant 0 : index
      %get3A_316 = vector.load %arg4[%get3A_311, %get3A_312, %get3A_313, %get3A_314, %get3A_315] : memref<4x64x16x16x128xbf16, #tpu.memory_space<vmem>>, vector<1x64x1x16x128xbf16>
      %get3A_317 = vector.shape_cast %get3A_316 : vector<1x64x1x16x128xbf16> to vector<64x16x128xbf16>
      %reshape3A_318 = vector.shape_cast %get3A_317 : vector<64x16x128xbf16> to vector<1024x128xbf16>
      %mul3A_319 = arith.constant 16 : i32
      %mul3A_320 = arith.muli %add3A_38, %mul3A_319 : i32
      %add3A_321 = arith.constant 13 : i32
      %add3A_322 = arith.addi %mul3A_320, %add3A_321 : i32
      %mul3A_323 = arith.constant 128 : i32
      %mul3A_324 = arith.muli %add3A_322, %mul3A_323 : i32
      %get3A_325 = arith.index_cast %mul3A_324 : i32 to index
      %get3A_326 = arith.constant 0 : index
      %get3A_327 = vector.load %arg1[%get3A_325, %get3A_326] : memref<81920x32xbf16, #tpu.memory_space<vmem>>, vector<128x32xbf16>
      %dot_general3A_328 = arith.constant dense<0.000000e+00> : vector<1024x32xf32>
      %dot_general3A_329 = tpu.matmul %reshape3A_318, %get3A_327, %dot_general3A_328 {dimension_numbers = #tpu.dot_dimension_numbers<[1], [0], [0], [1], [0, 0, 1, 1], [], []>, transpose_lhs_hint = false} : vector<1024x128xbf16>, vector<128x32xbf16>, vector<1024x32xf32> -> vector<1024x32xf32>
      %add3A_330 = arith.addf %add3A_310, %dot_general3A_329 : vector<1024x32xf32>
      %get3A_331 = arith.constant 0 : index
      %get3A_332 = arith.constant 0 : index
      %get3A_333 = arith.constant 14 : index
      %get3A_334 = arith.constant 0 : index
      %get3A_335 = arith.constant 0 : index
      %get3A_336 = vector.load %arg4[%get3A_331, %get3A_332, %get3A_333, %get3A_334, %get3A_335] : memref<4x64x16x16x128xbf16, #tpu.memory_space<vmem>>, vector<1x64x1x16x128xbf16>
      %get3A_337 = vector.shape_cast %get3A_336 : vector<1x64x1x16x128xbf16> to vector<64x16x128xbf16>
      %reshape3A_338 = vector.shape_cast %get3A_337 : vector<64x16x128xbf16> to vector<1024x128xbf16>
      %mul3A_339 = arith.constant 16 : i32
      %mul3A_340 = arith.muli %add3A_38, %mul3A_339 : i32
      %add3A_341 = arith.constant 14 : i32
      %add3A_342 = arith.addi %mul3A_340, %add3A_341 : i32
      %mul3A_343 = arith.constant 128 : i32
      %mul3A_344 = arith.muli %add3A_342, %mul3A_343 : i32
      %get3A_345 = arith.index_cast %mul3A_344 : i32 to index
      %get3A_346 = arith.constant 0 : index
      %get3A_347 = vector.load %arg1[%get3A_345, %get3A_346] : memref<81920x32xbf16, #tpu.memory_space<vmem>>, vector<128x32xbf16>
      %dot_general3A_348 = arith.constant dense<0.000000e+00> : vector<1024x32xf32>
      %dot_general3A_349 = tpu.matmul %reshape3A_338, %get3A_347, %dot_general3A_348 {dimension_numbers = #tpu.dot_dimension_numbers<[1], [0], [0], [1], [0, 0, 1, 1], [], []>, transpose_lhs_hint = false} : vector<1024x128xbf16>, vector<128x32xbf16>, vector<1024x32xf32> -> vector<1024x32xf32>
      %add3A_350 = arith.addf %add3A_330, %dot_general3A_349 : vector<1024x32xf32>
      %get3A_351 = arith.constant 0 : index
      %get3A_352 = arith.constant 0 : index
      %get3A_353 = arith.constant 15 : index
      %get3A_354 = arith.constant 0 : index
      %get3A_355 = arith.constant 0 : index
      %get3A_356 = vector.load %arg4[%get3A_351, %get3A_352, %get3A_353, %get3A_354, %get3A_355] : memref<4x64x16x16x128xbf16, #tpu.memory_space<vmem>>, vector<1x64x1x16x128xbf16>
      %get3A_357 = vector.shape_cast %get3A_356 : vector<1x64x1x16x128xbf16> to vector<64x16x128xbf16>
      %reshape3A_358 = vector.shape_cast %get3A_357 : vector<64x16x128xbf16> to vector<1024x128xbf16>
      %mul3A_359 = arith.constant 16 : i32
      %mul3A_360 = arith.muli %add3A_38, %mul3A_359 : i32
      %add3A_361 = arith.constant 15 : i32
      %add3A_362 = arith.addi %mul3A_360, %add3A_361 : i32
      %mul3A_363 = arith.constant 128 : i32
      %mul3A_364 = arith.muli %add3A_362, %mul3A_363 : i32
      %get3A_365 = arith.index_cast %mul3A_364 : i32 to index
      %get3A_366 = arith.constant 0 : index
      %get3A_367 = vector.load %arg1[%get3A_365, %get3A_366] : memref<81920x32xbf16, #tpu.memory_space<vmem>>, vector<128x32xbf16>
      %dot_general3A_368 = arith.constant dense<0.000000e+00> : vector<1024x32xf32>
      %dot_general3A_369 = tpu.matmul %reshape3A_358, %get3A_367, %dot_general3A_368 {dimension_numbers = #tpu.dot_dimension_numbers<[1], [0], [0], [1], [0, 0, 1, 1], [], []>, transpose_lhs_hint = false} : vector<1024x128xbf16>, vector<128x32xbf16>, vector<1024x32xf32> -> vector<1024x32xf32>
      %add3A_370 = arith.addf %add3A_350, %dot_general3A_369 : vector<1024x32xf32>
      %add3A_371 = arith.constant 4 : i32
      %add3A_372 = arith.addi %add3A_38, %add3A_371 : i32
      %lt3A_373 = arith.constant 40 : i32
      %lt3A_374 = arith.cmpi slt, %add3A_372, %lt3A_373 : i32
      %convert_element_type3A_375 = arith.extui %lt3A_374 : i1 to i32
      %cond3A_376 = arith.constant 0 : i32
      %cond3A_377 = arith.cmpi ne, %convert_element_type3A_375, %cond3A_376 : i32
      scf.if %cond3A_377 {
        %mul3A_1416 = arith.constant 16 : i32
        %mul3A_1417 = arith.muli %add3A_372, %mul3A_1416 : i32
        %dma_start3A = arith.constant 0 : i32
        %dma_start3A_1418 = arith.constant 0 : i32
        %dma_start3A_1419 = tpu.memref_slice %arg5[%dma_start3A_1418] : memref<4x!tpu.dma_semaphore, #tpu.memory_space<semaphore_mem>> -> memref<1x!tpu.dma_semaphore, #tpu.memory_space<semaphore_mem>>
        %dma_start3A_1420 = tpu.memref_squeeze %dma_start3A_1419 : memref<1x!tpu.dma_semaphore, #tpu.memory_space<semaphore_mem>> -> memref<!tpu.dma_semaphore, #tpu.memory_space<semaphore_mem>>
        %dma_start3A_1421 = arith.constant 0 : i32
        %dma_start3A_1422 = arith.constant 0 : i32
        %dma_start3A_1423 = arith.constant 0 : i32
        %dma_start3A_1424 = arith.constant 0 : i32
        %dma_start3A_1425 = tpu.memref_slice %arg4[%dma_start3A, %dma_start3A_1421, %dma_start3A_1422, %dma_start3A_1423, %dma_start3A_1424] : memref<4x64x16x16x128xbf16, #tpu.memory_space<vmem>> -> memref<1x64x16x16x128xbf16, #tpu.memory_space<vmem>>
        %dma_start3A_1426 = tpu.memref_squeeze %dma_start3A_1425 : memref<1x64x16x16x128xbf16, #tpu.memory_space<vmem>> -> memref<64x16x16x128xbf16, #tpu.memory_space<vmem>>
        %dma_start3A_1427 = arith.constant 0 : i32
        %dma_start3A_1428 = arith.constant 0 : i32
        %dma_start3A_1429 = arith.constant 0 : i32
        %dma_start3A_1430 = tpu.memref_slice %arg0[%dma_start3A_1427, %mul3A_1417, %dma_start3A_1428, %dma_start3A_1429] : memref<64x640x16x128xbf16, #tpu.memory_space<hbm>> -> memref<64x16x16x128xbf16, #tpu.memory_space<hbm>>
        tpu.enqueue_dma source(%dma_start3A_1430 : memref<64x16x16x128xbf16, #tpu.memory_space<hbm>>) target(%dma_start3A_1426 : memref<64x16x16x128xbf16, #tpu.memory_space<vmem>>) target_semaphore(%dma_start3A_1420 : memref<!tpu.dma_semaphore, #tpu.memory_space<semaphore_mem>>)
      } else {
      }
      %mul3A_378 = arith.constant 4 : i32
      %mul3A_379 = arith.muli %scan3A_35, %mul3A_378 : i32
      %add3A_380 = arith.constant 1 : i32
      %add3A_381 = arith.addi %mul3A_379, %add3A_380 : i32
      %dma_wait3A_382 = arith.constant 1 : i32
      %dma_wait3A_383 = arith.constant 1 : i32
      %dma_wait3A_384 = tpu.memref_slice %arg5[%dma_wait3A_383] : memref<4x!tpu.dma_semaphore, #tpu.memory_space<semaphore_mem>> -> memref<1x!tpu.dma_semaphore, #tpu.memory_space<semaphore_mem>>
      %dma_wait3A_385 = tpu.memref_squeeze %dma_wait3A_384 : memref<1x!tpu.dma_semaphore, #tpu.memory_space<semaphore_mem>> -> memref<!tpu.dma_semaphore, #tpu.memory_space<semaphore_mem>>
      %dma_wait3A_386 = arith.constant 0 : i32
      %dma_wait3A_387 = arith.constant 0 : i32
      %dma_wait3A_388 = arith.constant 0 : i32
      %dma_wait3A_389 = arith.constant 0 : i32
      %dma_wait3A_390 = tpu.memref_slice %arg4[%dma_wait3A_382, %dma_wait3A_386, %dma_wait3A_387, %dma_wait3A_388, %dma_wait3A_389] : memref<4x64x16x16x128xbf16, #tpu.memory_space<vmem>> -> memref<1x64x16x16x128xbf16, #tpu.memory_space<vmem>>
      %dma_wait3A_391 = tpu.memref_squeeze %dma_wait3A_390 : memref<1x64x16x16x128xbf16, #tpu.memory_space<vmem>> -> memref<64x16x16x128xbf16, #tpu.memory_space<vmem>>
      %dma_wait3A_392 = arith.constant 0 : i32
      %dma_wait3A_393 = arith.constant 0 : i32
      %dma_wait3A_394 = arith.constant 0 : i32
      %dma_wait3A_395 = arith.constant 0 : i32
      %dma_wait3A_396 = tpu.memref_slice %arg0[%dma_wait3A_392, %dma_wait3A_393, %dma_wait3A_394, %dma_wait3A_395] : memref<64x640x16x128xbf16, #tpu.memory_space<hbm>> -> memref<64x16x16x128xbf16, #tpu.memory_space<hbm>>
      tpu.wait_dma2 semaphore(%dma_wait3A_385 : memref<!tpu.dma_semaphore, #tpu.memory_space<semaphore_mem>>) src(%dma_wait3A_396 : memref<64x16x16x128xbf16, #tpu.memory_space<hbm>>) dst(%dma_wait3A_391 : memref<64x16x16x128xbf16, #tpu.memory_space<vmem>>)
      %get3A_397 = arith.constant 1 : index
      %get3A_398 = arith.constant 0 : index
      %get3A_399 = arith.constant 0 : index
      %get3A_400 = arith.constant 0 : index
      %get3A_401 = arith.constant 0 : index
      %get3A_402 = vector.load %arg4[%get3A_397, %get3A_398, %get3A_399, %get3A_400, %get3A_401] : memref<4x64x16x16x128xbf16, #tpu.memory_space<vmem>>, vector<1x64x1x16x128xbf16>
      %get3A_403 = vector.shape_cast %get3A_402 : vector<1x64x1x16x128xbf16> to vector<64x16x128xbf16>
      %reshape3A_404 = vector.shape_cast %get3A_403 : vector<64x16x128xbf16> to vector<1024x128xbf16>
      %mul3A_405 = arith.constant 16 : i32
      %mul3A_406 = arith.muli %add3A_381, %mul3A_405 : i32
      %add3A_407 = arith.constant 0 : i32
      %add3A_408 = arith.addi %mul3A_406, %add3A_407 : i32
      %mul3A_409 = arith.constant 128 : i32
      %mul3A_410 = arith.muli %add3A_408, %mul3A_409 : i32
      %get3A_411 = arith.index_cast %mul3A_410 : i32 to index
      %get3A_412 = arith.constant 0 : index
      %get3A_413 = vector.load %arg1[%get3A_411, %get3A_412] : memref<81920x32xbf16, #tpu.memory_space<vmem>>, vector<128x32xbf16>
      %dot_general3A_414 = arith.constant dense<0.000000e+00> : vector<1024x32xf32>
      %dot_general3A_415 = tpu.matmul %reshape3A_404, %get3A_413, %dot_general3A_414 {dimension_numbers = #tpu.dot_dimension_numbers<[1], [0], [0], [1], [0, 0, 1, 1], [], []>, transpose_lhs_hint = false} : vector<1024x128xbf16>, vector<128x32xbf16>, vector<1024x32xf32> -> vector<1024x32xf32>
      %add3A_416 = arith.addf %add3A_370, %dot_general3A_415 : vector<1024x32xf32>
      %get3A_417 = arith.constant 1 : index
      %get3A_418 = arith.constant 0 : index
      %get3A_419 = arith.constant 1 : index
      %get3A_420 = arith.constant 0 : index
      %get3A_421 = arith.constant 0 : index
      %get3A_422 = vector.load %arg4[%get3A_417, %get3A_418, %get3A_419, %get3A_420, %get3A_421] : memref<4x64x16x16x128xbf16, #tpu.memory_space<vmem>>, vector<1x64x1x16x128xbf16>
      %get3A_423 = vector.shape_cast %get3A_422 : vector<1x64x1x16x128xbf16> to vector<64x16x128xbf16>
      %reshape3A_424 = vector.shape_cast %get3A_423 : vector<64x16x128xbf16> to vector<1024x128xbf16>
      %mul3A_425 = arith.constant 16 : i32
      %mul3A_426 = arith.muli %add3A_381, %mul3A_425 : i32
      %add3A_427 = arith.constant 1 : i32
      %add3A_428 = arith.addi %mul3A_426, %add3A_427 : i32
      %mul3A_429 = arith.constant 128 : i32
      %mul3A_430 = arith.muli %add3A_428, %mul3A_429 : i32
      %get3A_431 = arith.index_cast %mul3A_430 : i32 to index
      %get3A_432 = arith.constant 0 : index
      %get3A_433 = vector.load %arg1[%get3A_431, %get3A_432] : memref<81920x32xbf16, #tpu.memory_space<vmem>>, vector<128x32xbf16>
      %dot_general3A_434 = arith.constant dense<0.000000e+00> : vector<1024x32xf32>
      %dot_general3A_435 = tpu.matmul %reshape3A_424, %get3A_433, %dot_general3A_434 {dimension_numbers = #tpu.dot_dimension_numbers<[1], [0], [0], [1], [0, 0, 1, 1], [], []>, transpose_lhs_hint = false} : vector<1024x128xbf16>, vector<128x32xbf16>, vector<1024x32xf32> -> vector<1024x32xf32>
      %add3A_436 = arith.addf %add3A_416, %dot_general3A_435 : vector<1024x32xf32>
      %get3A_437 = arith.constant 1 : index
      %get3A_438 = arith.constant 0 : index
      %get3A_439 = arith.constant 2 : index
      %get3A_440 = arith.constant 0 : index
      %get3A_441 = arith.constant 0 : index
      %get3A_442 = vector.load %arg4[%get3A_437, %get3A_438, %get3A_439, %get3A_440, %get3A_441] : memref<4x64x16x16x128xbf16, #tpu.memory_space<vmem>>, vector<1x64x1x16x128xbf16>
      %get3A_443 = vector.shape_cast %get3A_442 : vector<1x64x1x16x128xbf16> to vector<64x16x128xbf16>
      %reshape3A_444 = vector.shape_cast %get3A_443 : vector<64x16x128xbf16> to vector<1024x128xbf16>
      %mul3A_445 = arith.constant 16 : i32
      %mul3A_446 = arith.muli %add3A_381, %mul3A_445 : i32
      %add3A_447 = arith.constant 2 : i32
      %add3A_448 = arith.addi %mul3A_446, %add3A_447 : i32
      %mul3A_449 = arith.constant 128 : i32
      %mul3A_450 = arith.muli %add3A_448, %mul3A_449 : i32
      %get3A_451 = arith.index_cast %mul3A_450 : i32 to index
      %get3A_452 = arith.constant 0 : index
      %get3A_453 = vector.load %arg1[%get3A_451, %get3A_452] : memref<81920x32xbf16, #tpu.memory_space<vmem>>, vector<128x32xbf16>
      %dot_general3A_454 = arith.constant dense<0.000000e+00> : vector<1024x32xf32>
      %dot_general3A_455 = tpu.matmul %reshape3A_444, %get3A_453, %dot_general3A_454 {dimension_numbers = #tpu.dot_dimension_numbers<[1], [0], [0], [1], [0, 0, 1, 1], [], []>, transpose_lhs_hint = false} : vector<1024x128xbf16>, vector<128x32xbf16>, vector<1024x32xf32> -> vector<1024x32xf32>
      %add3A_456 = arith.addf %add3A_436, %dot_general3A_455 : vector<1024x32xf32>
      %get3A_457 = arith.constant 1 : index
      %get3A_458 = arith.constant 0 : index
      %get3A_459 = arith.constant 3 : index
      %get3A_460 = arith.constant 0 : index
      %get3A_461 = arith.constant 0 : index
      %get3A_462 = vector.load %arg4[%get3A_457, %get3A_458, %get3A_459, %get3A_460, %get3A_461] : memref<4x64x16x16x128xbf16, #tpu.memory_space<vmem>>, vector<1x64x1x16x128xbf16>
      %get3A_463 = vector.shape_cast %get3A_462 : vector<1x64x1x16x128xbf16> to vector<64x16x128xbf16>
      %reshape3A_464 = vector.shape_cast %get3A_463 : vector<64x16x128xbf16> to vector<1024x128xbf16>
      %mul3A_465 = arith.constant 16 : i32
      %mul3A_466 = arith.muli %add3A_381, %mul3A_465 : i32
      %add3A_467 = arith.constant 3 : i32
      %add3A_468 = arith.addi %mul3A_466, %add3A_467 : i32
      %mul3A_469 = arith.constant 128 : i32
      %mul3A_470 = arith.muli %add3A_468, %mul3A_469 : i32
      %get3A_471 = arith.index_cast %mul3A_470 : i32 to index
      %get3A_472 = arith.constant 0 : index
      %get3A_473 = vector.load %arg1[%get3A_471, %get3A_472] : memref<81920x32xbf16, #tpu.memory_space<vmem>>, vector<128x32xbf16>
      %dot_general3A_474 = arith.constant dense<0.000000e+00> : vector<1024x32xf32>
      %dot_general3A_475 = tpu.matmul %reshape3A_464, %get3A_473, %dot_general3A_474 {dimension_numbers = #tpu.dot_dimension_numbers<[1], [0], [0], [1], [0, 0, 1, 1], [], []>, transpose_lhs_hint = false} : vector<1024x128xbf16>, vector<128x32xbf16>, vector<1024x32xf32> -> vector<1024x32xf32>
      %add3A_476 = arith.addf %add3A_456, %dot_general3A_475 : vector<1024x32xf32>
      %get3A_477 = arith.constant 1 : index
      %get3A_478 = arith.constant 0 : index
      %get3A_479 = arith.constant 4 : index
      %get3A_480 = arith.constant 0 : index
      %get3A_481 = arith.constant 0 : index
      %get3A_482 = vector.load %arg4[%get3A_477, %get3A_478, %get3A_479, %get3A_480, %get3A_481] : memref<4x64x16x16x128xbf16, #tpu.memory_space<vmem>>, vector<1x64x1x16x128xbf16>
      %get3A_483 = vector.shape_cast %get3A_482 : vector<1x64x1x16x128xbf16> to vector<64x16x128xbf16>
      %reshape3A_484 = vector.shape_cast %get3A_483 : vector<64x16x128xbf16> to vector<1024x128xbf16>
      %mul3A_485 = arith.constant 16 : i32
      %mul3A_486 = arith.muli %add3A_381, %mul3A_485 : i32
      %add3A_487 = arith.constant 4 : i32
      %add3A_488 = arith.addi %mul3A_486, %add3A_487 : i32
      %mul3A_489 = arith.constant 128 : i32
      %mul3A_490 = arith.muli %add3A_488, %mul3A_489 : i32
      %get3A_491 = arith.index_cast %mul3A_490 : i32 to index
      %get3A_492 = arith.constant 0 : index
      %get3A_493 = vector.load %arg1[%get3A_491, %get3A_492] : memref<81920x32xbf16, #tpu.memory_space<vmem>>, vector<128x32xbf16>
      %dot_general3A_494 = arith.constant dense<0.000000e+00> : vector<1024x32xf32>
      %dot_general3A_495 = tpu.matmul %reshape3A_484, %get3A_493, %dot_general3A_494 {dimension_numbers = #tpu.dot_dimension_numbers<[1], [0], [0], [1], [0, 0, 1, 1], [], []>, transpose_lhs_hint = false} : vector<1024x128xbf16>, vector<128x32xbf16>, vector<1024x32xf32> -> vector<1024x32xf32>
      %add3A_496 = arith.addf %add3A_476, %dot_general3A_495 : vector<1024x32xf32>
      %get3A_497 = arith.constant 1 : index
      %get3A_498 = arith.constant 0 : index
      %get3A_499 = arith.constant 5 : index
      %get3A_500 = arith.constant 0 : index
      %get3A_501 = arith.constant 0 : index
      %get3A_502 = vector.load %arg4[%get3A_497, %get3A_498, %get3A_499, %get3A_500, %get3A_501] : memref<4x64x16x16x128xbf16, #tpu.memory_space<vmem>>, vector<1x64x1x16x128xbf16>
      %get3A_503 = vector.shape_cast %get3A_502 : vector<1x64x1x16x128xbf16> to vector<64x16x128xbf16>
      %reshape3A_504 = vector.shape_cast %get3A_503 : vector<64x16x128xbf16> to vector<1024x128xbf16>
      %mul3A_505 = arith.constant 16 : i32
      %mul3A_506 = arith.muli %add3A_381, %mul3A_505 : i32
      %add3A_507 = arith.constant 5 : i32
      %add3A_508 = arith.addi %mul3A_506, %add3A_507 : i32
      %mul3A_509 = arith.constant 128 : i32
      %mul3A_510 = arith.muli %add3A_508, %mul3A_509 : i32
      %get3A_511 = arith.index_cast %mul3A_510 : i32 to index
      %get3A_512 = arith.constant 0 : index
      %get3A_513 = vector.load %arg1[%get3A_511, %get3A_512] : memref<81920x32xbf16, #tpu.memory_space<vmem>>, vector<128x32xbf16>
      %dot_general3A_514 = arith.constant dense<0.000000e+00> : vector<1024x32xf32>
      %dot_general3A_515 = tpu.matmul %reshape3A_504, %get3A_513, %dot_general3A_514 {dimension_numbers = #tpu.dot_dimension_numbers<[1], [0], [0], [1], [0, 0, 1, 1], [], []>, transpose_lhs_hint = false} : vector<1024x128xbf16>, vector<128x32xbf16>, vector<1024x32xf32> -> vector<1024x32xf32>
      %add3A_516 = arith.addf %add3A_496, %dot_general3A_515 : vector<1024x32xf32>
      %get3A_517 = arith.constant 1 : index
      %get3A_518 = arith.constant 0 : index
      %get3A_519 = arith.constant 6 : index
      %get3A_520 = arith.constant 0 : index
      %get3A_521 = arith.constant 0 : index
      %get3A_522 = vector.load %arg4[%get3A_517, %get3A_518, %get3A_519, %get3A_520, %get3A_521] : memref<4x64x16x16x128xbf16, #tpu.memory_space<vmem>>, vector<1x64x1x16x128xbf16>
      %get3A_523 = vector.shape_cast %get3A_522 : vector<1x64x1x16x128xbf16> to vector<64x16x128xbf16>
      %reshape3A_524 = vector.shape_cast %get3A_523 : vector<64x16x128xbf16> to vector<1024x128xbf16>
      %mul3A_525 = arith.constant 16 : i32
      %mul3A_526 = arith.muli %add3A_381, %mul3A_525 : i32
      %add3A_527 = arith.constant 6 : i32
      %add3A_528 = arith.addi %mul3A_526, %add3A_527 : i32
      %mul3A_529 = arith.constant 128 : i32
      %mul3A_530 = arith.muli %add3A_528, %mul3A_529 : i32
      %get3A_531 = arith.index_cast %mul3A_530 : i32 to index
      %get3A_532 = arith.constant 0 : index
      %get3A_533 = vector.load %arg1[%get3A_531, %get3A_532] : memref<81920x32xbf16, #tpu.memory_space<vmem>>, vector<128x32xbf16>
      %dot_general3A_534 = arith.constant dense<0.000000e+00> : vector<1024x32xf32>
      %dot_general3A_535 = tpu.matmul %reshape3A_524, %get3A_533, %dot_general3A_534 {dimension_numbers = #tpu.dot_dimension_numbers<[1], [0], [0], [1], [0, 0, 1, 1], [], []>, transpose_lhs_hint = false} : vector<1024x128xbf16>, vector<128x32xbf16>, vector<1024x32xf32> -> vector<1024x32xf32>
      %add3A_536 = arith.addf %add3A_516, %dot_general3A_535 : vector<1024x32xf32>
      %get3A_537 = arith.constant 1 : index
      %get3A_538 = arith.constant 0 : index
      %get3A_539 = arith.constant 7 : index
      %get3A_540 = arith.constant 0 : index
      %get3A_541 = arith.constant 0 : index
      %get3A_542 = vector.load %arg4[%get3A_537, %get3A_538, %get3A_539, %get3A_540, %get3A_541] : memref<4x64x16x16x128xbf16, #tpu.memory_space<vmem>>, vector<1x64x1x16x128xbf16>
      %get3A_543 = vector.shape_cast %get3A_542 : vector<1x64x1x16x128xbf16> to vector<64x16x128xbf16>
      %reshape3A_544 = vector.shape_cast %get3A_543 : vector<64x16x128xbf16> to vector<1024x128xbf16>
      %mul3A_545 = arith.constant 16 : i32
      %mul3A_546 = arith.muli %add3A_381, %mul3A_545 : i32
      %add3A_547 = arith.constant 7 : i32
      %add3A_548 = arith.addi %mul3A_546, %add3A_547 : i32
      %mul3A_549 = arith.constant 128 : i32
      %mul3A_550 = arith.muli %add3A_548, %mul3A_549 : i32
      %get3A_551 = arith.index_cast %mul3A_550 : i32 to index
      %get3A_552 = arith.constant 0 : index
      %get3A_553 = vector.load %arg1[%get3A_551, %get3A_552] : memref<81920x32xbf16, #tpu.memory_space<vmem>>, vector<128x32xbf16>
      %dot_general3A_554 = arith.constant dense<0.000000e+00> : vector<1024x32xf32>
      %dot_general3A_555 = tpu.matmul %reshape3A_544, %get3A_553, %dot_general3A_554 {dimension_numbers = #tpu.dot_dimension_numbers<[1], [0], [0], [1], [0, 0, 1, 1], [], []>, transpose_lhs_hint = false} : vector<1024x128xbf16>, vector<128x32xbf16>, vector<1024x32xf32> -> vector<1024x32xf32>
      %add3A_556 = arith.addf %add3A_536, %dot_general3A_555 : vector<1024x32xf32>
      %get3A_557 = arith.constant 1 : index
      %get3A_558 = arith.constant 0 : index
      %get3A_559 = arith.constant 8 : index
      %get3A_560 = arith.constant 0 : index
      %get3A_561 = arith.constant 0 : index
      %get3A_562 = vector.load %arg4[%get3A_557, %get3A_558, %get3A_559, %get3A_560, %get3A_561] : memref<4x64x16x16x128xbf16, #tpu.memory_space<vmem>>, vector<1x64x1x16x128xbf16>
      %get3A_563 = vector.shape_cast %get3A_562 : vector<1x64x1x16x128xbf16> to vector<64x16x128xbf16>
      %reshape3A_564 = vector.shape_cast %get3A_563 : vector<64x16x128xbf16> to vector<1024x128xbf16>
      %mul3A_565 = arith.constant 16 : i32
      %mul3A_566 = arith.muli %add3A_381, %mul3A_565 : i32
      %add3A_567 = arith.constant 8 : i32
      %add3A_568 = arith.addi %mul3A_566, %add3A_567 : i32
      %mul3A_569 = arith.constant 128 : i32
      %mul3A_570 = arith.muli %add3A_568, %mul3A_569 : i32
      %get3A_571 = arith.index_cast %mul3A_570 : i32 to index
      %get3A_572 = arith.constant 0 : index
      %get3A_573 = vector.load %arg1[%get3A_571, %get3A_572] : memref<81920x32xbf16, #tpu.memory_space<vmem>>, vector<128x32xbf16>
      %dot_general3A_574 = arith.constant dense<0.000000e+00> : vector<1024x32xf32>
      %dot_general3A_575 = tpu.matmul %reshape3A_564, %get3A_573, %dot_general3A_574 {dimension_numbers = #tpu.dot_dimension_numbers<[1], [0], [0], [1], [0, 0, 1, 1], [], []>, transpose_lhs_hint = false} : vector<1024x128xbf16>, vector<128x32xbf16>, vector<1024x32xf32> -> vector<1024x32xf32>
      %add3A_576 = arith.addf %add3A_556, %dot_general3A_575 : vector<1024x32xf32>
      %get3A_577 = arith.constant 1 : index
      %get3A_578 = arith.constant 0 : index
      %get3A_579 = arith.constant 9 : index
      %get3A_580 = arith.constant 0 : index
      %get3A_581 = arith.constant 0 : index
      %get3A_582 = vector.load %arg4[%get3A_577, %get3A_578, %get3A_579, %get3A_580, %get3A_581] : memref<4x64x16x16x128xbf16, #tpu.memory_space<vmem>>, vector<1x64x1x16x128xbf16>
      %get3A_583 = vector.shape_cast %get3A_582 : vector<1x64x1x16x128xbf16> to vector<64x16x128xbf16>
      %reshape3A_584 = vector.shape_cast %get3A_583 : vector<64x16x128xbf16> to vector<1024x128xbf16>
      %mul3A_585 = arith.constant 16 : i32
      %mul3A_586 = arith.muli %add3A_381, %mul3A_585 : i32
      %add3A_587 = arith.constant 9 : i32
      %add3A_588 = arith.addi %mul3A_586, %add3A_587 : i32
      %mul3A_589 = arith.constant 128 : i32
      %mul3A_590 = arith.muli %add3A_588, %mul3A_589 : i32
      %get3A_591 = arith.index_cast %mul3A_590 : i32 to index
      %get3A_592 = arith.constant 0 : index
      %get3A_593 = vector.load %arg1[%get3A_591, %get3A_592] : memref<81920x32xbf16, #tpu.memory_space<vmem>>, vector<128x32xbf16>
      %dot_general3A_594 = arith.constant dense<0.000000e+00> : vector<1024x32xf32>
      %dot_general3A_595 = tpu.matmul %reshape3A_584, %get3A_593, %dot_general3A_594 {dimension_numbers = #tpu.dot_dimension_numbers<[1], [0], [0], [1], [0, 0, 1, 1], [], []>, transpose_lhs_hint = false} : vector<1024x128xbf16>, vector<128x32xbf16>, vector<1024x32xf32> -> vector<1024x32xf32>
      %add3A_596 = arith.addf %add3A_576, %dot_general3A_595 : vector<1024x32xf32>
      %get3A_597 = arith.constant 1 : index
      %get3A_598 = arith.constant 0 : index
      %get3A_599 = arith.constant 10 : index
      %get3A_600 = arith.constant 0 : index
      %get3A_601 = arith.constant 0 : index
      %get3A_602 = vector.load %arg4[%get3A_597, %get3A_598, %get3A_599, %get3A_600, %get3A_601] : memref<4x64x16x16x128xbf16, #tpu.memory_space<vmem>>, vector<1x64x1x16x128xbf16>
      %get3A_603 = vector.shape_cast %get3A_602 : vector<1x64x1x16x128xbf16> to vector<64x16x128xbf16>
      %reshape3A_604 = vector.shape_cast %get3A_603 : vector<64x16x128xbf16> to vector<1024x128xbf16>
      %mul3A_605 = arith.constant 16 : i32
      %mul3A_606 = arith.muli %add3A_381, %mul3A_605 : i32
      %add3A_607 = arith.constant 10 : i32
      %add3A_608 = arith.addi %mul3A_606, %add3A_607 : i32
      %mul3A_609 = arith.constant 128 : i32
      %mul3A_610 = arith.muli %add3A_608, %mul3A_609 : i32
      %get3A_611 = arith.index_cast %mul3A_610 : i32 to index
      %get3A_612 = arith.constant 0 : index
      %get3A_613 = vector.load %arg1[%get3A_611, %get3A_612] : memref<81920x32xbf16, #tpu.memory_space<vmem>>, vector<128x32xbf16>
      %dot_general3A_614 = arith.constant dense<0.000000e+00> : vector<1024x32xf32>
      %dot_general3A_615 = tpu.matmul %reshape3A_604, %get3A_613, %dot_general3A_614 {dimension_numbers = #tpu.dot_dimension_numbers<[1], [0], [0], [1], [0, 0, 1, 1], [], []>, transpose_lhs_hint = false} : vector<1024x128xbf16>, vector<128x32xbf16>, vector<1024x32xf32> -> vector<1024x32xf32>
      %add3A_616 = arith.addf %add3A_596, %dot_general3A_615 : vector<1024x32xf32>
      %get3A_617 = arith.constant 1 : index
      %get3A_618 = arith.constant 0 : index
      %get3A_619 = arith.constant 11 : index
      %get3A_620 = arith.constant 0 : index
      %get3A_621 = arith.constant 0 : index
      %get3A_622 = vector.load %arg4[%get3A_617, %get3A_618, %get3A_619, %get3A_620, %get3A_621] : memref<4x64x16x16x128xbf16, #tpu.memory_space<vmem>>, vector<1x64x1x16x128xbf16>
      %get3A_623 = vector.shape_cast %get3A_622 : vector<1x64x1x16x128xbf16> to vector<64x16x128xbf16>
      %reshape3A_624 = vector.shape_cast %get3A_623 : vector<64x16x128xbf16> to vector<1024x128xbf16>
      %mul3A_625 = arith.constant 16 : i32
      %mul3A_626 = arith.muli %add3A_381, %mul3A_625 : i32
      %add3A_627 = arith.constant 11 : i32
      %add3A_628 = arith.addi %mul3A_626, %add3A_627 : i32
      %mul3A_629 = arith.constant 128 : i32
      %mul3A_630 = arith.muli %add3A_628, %mul3A_629 : i32
      %get3A_631 = arith.index_cast %mul3A_630 : i32 to index
      %get3A_632 = arith.constant 0 : index
      %get3A_633 = vector.load %arg1[%get3A_631, %get3A_632] : memref<81920x32xbf16, #tpu.memory_space<vmem>>, vector<128x32xbf16>
      %dot_general3A_634 = arith.constant dense<0.000000e+00> : vector<1024x32xf32>
      %dot_general3A_635 = tpu.matmul %reshape3A_624, %get3A_633, %dot_general3A_634 {dimension_numbers = #tpu.dot_dimension_numbers<[1], [0], [0], [1], [0, 0, 1, 1], [], []>, transpose_lhs_hint = false} : vector<1024x128xbf16>, vector<128x32xbf16>, vector<1024x32xf32> -> vector<1024x32xf32>
      %add3A_636 = arith.addf %add3A_616, %dot_general3A_635 : vector<1024x32xf32>
      %get3A_637 = arith.constant 1 : index
      %get3A_638 = arith.constant 0 : index
      %get3A_639 = arith.constant 12 : index
      %get3A_640 = arith.constant 0 : index
      %get3A_641 = arith.constant 0 : index
      %get3A_642 = vector.load %arg4[%get3A_637, %get3A_638, %get3A_639, %get3A_640, %get3A_641] : memref<4x64x16x16x128xbf16, #tpu.memory_space<vmem>>, vector<1x64x1x16x128xbf16>
      %get3A_643 = vector.shape_cast %get3A_642 : vector<1x64x1x16x128xbf16> to vector<64x16x128xbf16>
      %reshape3A_644 = vector.shape_cast %get3A_643 : vector<64x16x128xbf16> to vector<1024x128xbf16>
      %mul3A_645 = arith.constant 16 : i32
      %mul3A_646 = arith.muli %add3A_381, %mul3A_645 : i32
      %add3A_647 = arith.constant 12 : i32
      %add3A_648 = arith.addi %mul3A_646, %add3A_647 : i32
      %mul3A_649 = arith.constant 128 : i32
      %mul3A_650 = arith.muli %add3A_648, %mul3A_649 : i32
      %get3A_651 = arith.index_cast %mul3A_650 : i32 to index
      %get3A_652 = arith.constant 0 : index
      %get3A_653 = vector.load %arg1[%get3A_651, %get3A_652] : memref<81920x32xbf16, #tpu.memory_space<vmem>>, vector<128x32xbf16>
      %dot_general3A_654 = arith.constant dense<0.000000e+00> : vector<1024x32xf32>
      %dot_general3A_655 = tpu.matmul %reshape3A_644, %get3A_653, %dot_general3A_654 {dimension_numbers = #tpu.dot_dimension_numbers<[1], [0], [0], [1], [0, 0, 1, 1], [], []>, transpose_lhs_hint = false} : vector<1024x128xbf16>, vector<128x32xbf16>, vector<1024x32xf32> -> vector<1024x32xf32>
      %add3A_656 = arith.addf %add3A_636, %dot_general3A_655 : vector<1024x32xf32>
      %get3A_657 = arith.constant 1 : index
      %get3A_658 = arith.constant 0 : index
      %get3A_659 = arith.constant 13 : index
      %get3A_660 = arith.constant 0 : index
      %get3A_661 = arith.constant 0 : index
      %get3A_662 = vector.load %arg4[%get3A_657, %get3A_658, %get3A_659, %get3A_660, %get3A_661] : memref<4x64x16x16x128xbf16, #tpu.memory_space<vmem>>, vector<1x64x1x16x128xbf16>
      %get3A_663 = vector.shape_cast %get3A_662 : vector<1x64x1x16x128xbf16> to vector<64x16x128xbf16>
      %reshape3A_664 = vector.shape_cast %get3A_663 : vector<64x16x128xbf16> to vector<1024x128xbf16>
      %mul3A_665 = arith.constant 16 : i32
      %mul3A_666 = arith.muli %add3A_381, %mul3A_665 : i32
      %add3A_667 = arith.constant 13 : i32
      %add3A_668 = arith.addi %mul3A_666, %add3A_667 : i32
      %mul3A_669 = arith.constant 128 : i32
      %mul3A_670 = arith.muli %add3A_668, %mul3A_669 : i32
      %get3A_671 = arith.index_cast %mul3A_670 : i32 to index
      %get3A_672 = arith.constant 0 : index
      %get3A_673 = vector.load %arg1[%get3A_671, %get3A_672] : memref<81920x32xbf16, #tpu.memory_space<vmem>>, vector<128x32xbf16>
      %dot_general3A_674 = arith.constant dense<0.000000e+00> : vector<1024x32xf32>
      %dot_general3A_675 = tpu.matmul %reshape3A_664, %get3A_673, %dot_general3A_674 {dimension_numbers = #tpu.dot_dimension_numbers<[1], [0], [0], [1], [0, 0, 1, 1], [], []>, transpose_lhs_hint = false} : vector<1024x128xbf16>, vector<128x32xbf16>, vector<1024x32xf32> -> vector<1024x32xf32>
      %add3A_676 = arith.addf %add3A_656, %dot_general3A_675 : vector<1024x32xf32>
      %get3A_677 = arith.constant 1 : index
      %get3A_678 = arith.constant 0 : index
      %get3A_679 = arith.constant 14 : index
      %get3A_680 = arith.constant 0 : index
      %get3A_681 = arith.constant 0 : index
      %get3A_682 = vector.load %arg4[%get3A_677, %get3A_678, %get3A_679, %get3A_680, %get3A_681] : memref<4x64x16x16x128xbf16, #tpu.memory_space<vmem>>, vector<1x64x1x16x128xbf16>
      %get3A_683 = vector.shape_cast %get3A_682 : vector<1x64x1x16x128xbf16> to vector<64x16x128xbf16>
      %reshape3A_684 = vector.shape_cast %get3A_683 : vector<64x16x128xbf16> to vector<1024x128xbf16>
      %mul3A_685 = arith.constant 16 : i32
      %mul3A_686 = arith.muli %add3A_381, %mul3A_685 : i32
      %add3A_687 = arith.constant 14 : i32
      %add3A_688 = arith.addi %mul3A_686, %add3A_687 : i32
      %mul3A_689 = arith.constant 128 : i32
      %mul3A_690 = arith.muli %add3A_688, %mul3A_689 : i32
      %get3A_691 = arith.index_cast %mul3A_690 : i32 to index
      %get3A_692 = arith.constant 0 : index
      %get3A_693 = vector.load %arg1[%get3A_691, %get3A_692] : memref<81920x32xbf16, #tpu.memory_space<vmem>>, vector<128x32xbf16>
      %dot_general3A_694 = arith.constant dense<0.000000e+00> : vector<1024x32xf32>
      %dot_general3A_695 = tpu.matmul %reshape3A_684, %get3A_693, %dot_general3A_694 {dimension_numbers = #tpu.dot_dimension_numbers<[1], [0], [0], [1], [0, 0, 1, 1], [], []>, transpose_lhs_hint = false} : vector<1024x128xbf16>, vector<128x32xbf16>, vector<1024x32xf32> -> vector<1024x32xf32>
      %add3A_696 = arith.addf %add3A_676, %dot_general3A_695 : vector<1024x32xf32>
      %get3A_697 = arith.constant 1 : index
      %get3A_698 = arith.constant 0 : index
      %get3A_699 = arith.constant 15 : index
      %get3A_700 = arith.constant 0 : index
      %get3A_701 = arith.constant 0 : index
      %get3A_702 = vector.load %arg4[%get3A_697, %get3A_698, %get3A_699, %get3A_700, %get3A_701] : memref<4x64x16x16x128xbf16, #tpu.memory_space<vmem>>, vector<1x64x1x16x128xbf16>
      %get3A_703 = vector.shape_cast %get3A_702 : vector<1x64x1x16x128xbf16> to vector<64x16x128xbf16>
      %reshape3A_704 = vector.shape_cast %get3A_703 : vector<64x16x128xbf16> to vector<1024x128xbf16>
      %mul3A_705 = arith.constant 16 : i32
      %mul3A_706 = arith.muli %add3A_381, %mul3A_705 : i32
      %add3A_707 = arith.constant 15 : i32
      %add3A_708 = arith.addi %mul3A_706, %add3A_707 : i32
      %mul3A_709 = arith.constant 128 : i32
      %mul3A_710 = arith.muli %add3A_708, %mul3A_709 : i32
      %get3A_711 = arith.index_cast %mul3A_710 : i32 to index
      %get3A_712 = arith.constant 0 : index
      %get3A_713 = vector.load %arg1[%get3A_711, %get3A_712] : memref<81920x32xbf16, #tpu.memory_space<vmem>>, vector<128x32xbf16>
      %dot_general3A_714 = arith.constant dense<0.000000e+00> : vector<1024x32xf32>
      %dot_general3A_715 = tpu.matmul %reshape3A_704, %get3A_713, %dot_general3A_714 {dimension_numbers = #tpu.dot_dimension_numbers<[1], [0], [0], [1], [0, 0, 1, 1], [], []>, transpose_lhs_hint = false} : vector<1024x128xbf16>, vector<128x32xbf16>, vector<1024x32xf32> -> vector<1024x32xf32>
      %add3A_716 = arith.addf %add3A_696, %dot_general3A_715 : vector<1024x32xf32>
      %add3A_717 = arith.constant 4 : i32
      %add3A_718 = arith.addi %add3A_381, %add3A_717 : i32
      %lt3A_719 = arith.constant 40 : i32
      %lt3A_720 = arith.cmpi slt, %add3A_718, %lt3A_719 : i32
      %convert_element_type3A_721 = arith.extui %lt3A_720 : i1 to i32
      %cond3A_722 = arith.constant 0 : i32
      %cond3A_723 = arith.cmpi ne, %convert_element_type3A_721, %cond3A_722 : i32
      scf.if %cond3A_723 {
        %mul3A_1416 = arith.constant 16 : i32
        %mul3A_1417 = arith.muli %add3A_718, %mul3A_1416 : i32
        %dma_start3A = arith.constant 1 : i32
        %dma_start3A_1418 = arith.constant 1 : i32
        %dma_start3A_1419 = tpu.memref_slice %arg5[%dma_start3A_1418] : memref<4x!tpu.dma_semaphore, #tpu.memory_space<semaphore_mem>> -> memref<1x!tpu.dma_semaphore, #tpu.memory_space<semaphore_mem>>
        %dma_start3A_1420 = tpu.memref_squeeze %dma_start3A_1419 : memref<1x!tpu.dma_semaphore, #tpu.memory_space<semaphore_mem>> -> memref<!tpu.dma_semaphore, #tpu.memory_space<semaphore_mem>>
        %dma_start3A_1421 = arith.constant 0 : i32
        %dma_start3A_1422 = arith.constant 0 : i32
        %dma_start3A_1423 = arith.constant 0 : i32
        %dma_start3A_1424 = arith.constant 0 : i32
        %dma_start3A_1425 = tpu.memref_slice %arg4[%dma_start3A, %dma_start3A_1421, %dma_start3A_1422, %dma_start3A_1423, %dma_start3A_1424] : memref<4x64x16x16x128xbf16, #tpu.memory_space<vmem>> -> memref<1x64x16x16x128xbf16, #tpu.memory_space<vmem>>
        %dma_start3A_1426 = tpu.memref_squeeze %dma_start3A_1425 : memref<1x64x16x16x128xbf16, #tpu.memory_space<vmem>> -> memref<64x16x16x128xbf16, #tpu.memory_space<vmem>>
        %dma_start3A_1427 = arith.constant 0 : i32
        %dma_start3A_1428 = arith.constant 0 : i32
        %dma_start3A_1429 = arith.constant 0 : i32
        %dma_start3A_1430 = tpu.memref_slice %arg0[%dma_start3A_1427, %mul3A_1417, %dma_start3A_1428, %dma_start3A_1429] : memref<64x640x16x128xbf16, #tpu.memory_space<hbm>> -> memref<64x16x16x128xbf16, #tpu.memory_space<hbm>>
        tpu.enqueue_dma source(%dma_start3A_1430 : memref<64x16x16x128xbf16, #tpu.memory_space<hbm>>) target(%dma_start3A_1426 : memref<64x16x16x128xbf16, #tpu.memory_space<vmem>>) target_semaphore(%dma_start3A_1420 : memref<!tpu.dma_semaphore, #tpu.memory_space<semaphore_mem>>)
      } else {
      }
      %mul3A_724 = arith.constant 4 : i32
      %mul3A_725 = arith.muli %scan3A_35, %mul3A_724 : i32
      %add3A_726 = arith.constant 2 : i32
      %add3A_727 = arith.addi %mul3A_725, %add3A_726 : i32
      %dma_wait3A_728 = arith.constant 2 : i32
      %dma_wait3A_729 = arith.constant 2 : i32
      %dma_wait3A_730 = tpu.memref_slice %arg5[%dma_wait3A_729] : memref<4x!tpu.dma_semaphore, #tpu.memory_space<semaphore_mem>> -> memref<1x!tpu.dma_semaphore, #tpu.memory_space<semaphore_mem>>
      %dma_wait3A_731 = tpu.memref_squeeze %dma_wait3A_730 : memref<1x!tpu.dma_semaphore, #tpu.memory_space<semaphore_mem>> -> memref<!tpu.dma_semaphore, #tpu.memory_space<semaphore_mem>>
      %dma_wait3A_732 = arith.constant 0 : i32
      %dma_wait3A_733 = arith.constant 0 : i32
      %dma_wait3A_734 = arith.constant 0 : i32
      %dma_wait3A_735 = arith.constant 0 : i32
      %dma_wait3A_736 = tpu.memref_slice %arg4[%dma_wait3A_728, %dma_wait3A_732, %dma_wait3A_733, %dma_wait3A_734, %dma_wait3A_735] : memref<4x64x16x16x128xbf16, #tpu.memory_space<vmem>> -> memref<1x64x16x16x128xbf16, #tpu.memory_space<vmem>>
      %dma_wait3A_737 = tpu.memref_squeeze %dma_wait3A_736 : memref<1x64x16x16x128xbf16, #tpu.memory_space<vmem>> -> memref<64x16x16x128xbf16, #tpu.memory_space<vmem>>
      %dma_wait3A_738 = arith.constant 0 : i32
      %dma_wait3A_739 = arith.constant 0 : i32
      %dma_wait3A_740 = arith.constant 0 : i32
      %dma_wait3A_741 = arith.constant 0 : i32
      %dma_wait3A_742 = tpu.memref_slice %arg0[%dma_wait3A_738, %dma_wait3A_739, %dma_wait3A_740, %dma_wait3A_741] : memref<64x640x16x128xbf16, #tpu.memory_space<hbm>> -> memref<64x16x16x128xbf16, #tpu.memory_space<hbm>>
      tpu.wait_dma2 semaphore(%dma_wait3A_731 : memref<!tpu.dma_semaphore, #tpu.memory_space<semaphore_mem>>) src(%dma_wait3A_742 : memref<64x16x16x128xbf16, #tpu.memory_space<hbm>>) dst(%dma_wait3A_737 : memref<64x16x16x128xbf16, #tpu.memory_space<vmem>>)
      %get3A_743 = arith.constant 2 : index
      %get3A_744 = arith.constant 0 : index
      %get3A_745 = arith.constant 0 : index
      %get3A_746 = arith.constant 0 : index
      %get3A_747 = arith.constant 0 : index
      %get3A_748 = vector.load %arg4[%get3A_743, %get3A_744, %get3A_745, %get3A_746, %get3A_747] : memref<4x64x16x16x128xbf16, #tpu.memory_space<vmem>>, vector<1x64x1x16x128xbf16>
      %get3A_749 = vector.shape_cast %get3A_748 : vector<1x64x1x16x128xbf16> to vector<64x16x128xbf16>
      %reshape3A_750 = vector.shape_cast %get3A_749 : vector<64x16x128xbf16> to vector<1024x128xbf16>
      %mul3A_751 = arith.constant 16 : i32
      %mul3A_752 = arith.muli %add3A_727, %mul3A_751 : i32
      %add3A_753 = arith.constant 0 : i32
      %add3A_754 = arith.addi %mul3A_752, %add3A_753 : i32
      %mul3A_755 = arith.constant 128 : i32
      %mul3A_756 = arith.muli %add3A_754, %mul3A_755 : i32
      %get3A_757 = arith.index_cast %mul3A_756 : i32 to index
      %get3A_758 = arith.constant 0 : index
      %get3A_759 = vector.load %arg1[%get3A_757, %get3A_758] : memref<81920x32xbf16, #tpu.memory_space<vmem>>, vector<128x32xbf16>
      %dot_general3A_760 = arith.constant dense<0.000000e+00> : vector<1024x32xf32>
      %dot_general3A_761 = tpu.matmul %reshape3A_750, %get3A_759, %dot_general3A_760 {dimension_numbers = #tpu.dot_dimension_numbers<[1], [0], [0], [1], [0, 0, 1, 1], [], []>, transpose_lhs_hint = false} : vector<1024x128xbf16>, vector<128x32xbf16>, vector<1024x32xf32> -> vector<1024x32xf32>
      %add3A_762 = arith.addf %add3A_716, %dot_general3A_761 : vector<1024x32xf32>
      %get3A_763 = arith.constant 2 : index
      %get3A_764 = arith.constant 0 : index
      %get3A_765 = arith.constant 1 : index
      %get3A_766 = arith.constant 0 : index
      %get3A_767 = arith.constant 0 : index
      %get3A_768 = vector.load %arg4[%get3A_763, %get3A_764, %get3A_765, %get3A_766, %get3A_767] : memref<4x64x16x16x128xbf16, #tpu.memory_space<vmem>>, vector<1x64x1x16x128xbf16>
      %get3A_769 = vector.shape_cast %get3A_768 : vector<1x64x1x16x128xbf16> to vector<64x16x128xbf16>
      %reshape3A_770 = vector.shape_cast %get3A_769 : vector<64x16x128xbf16> to vector<1024x128xbf16>
      %mul3A_771 = arith.constant 16 : i32
      %mul3A_772 = arith.muli %add3A_727, %mul3A_771 : i32
      %add3A_773 = arith.constant 1 : i32
      %add3A_774 = arith.addi %mul3A_772, %add3A_773 : i32
      %mul3A_775 = arith.constant 128 : i32
      %mul3A_776 = arith.muli %add3A_774, %mul3A_775 : i32
      %get3A_777 = arith.index_cast %mul3A_776 : i32 to index
      %get3A_778 = arith.constant 0 : index
      %get3A_779 = vector.load %arg1[%get3A_777, %get3A_778] : memref<81920x32xbf16, #tpu.memory_space<vmem>>, vector<128x32xbf16>
      %dot_general3A_780 = arith.constant dense<0.000000e+00> : vector<1024x32xf32>
      %dot_general3A_781 = tpu.matmul %reshape3A_770, %get3A_779, %dot_general3A_780 {dimension_numbers = #tpu.dot_dimension_numbers<[1], [0], [0], [1], [0, 0, 1, 1], [], []>, transpose_lhs_hint = false} : vector<1024x128xbf16>, vector<128x32xbf16>, vector<1024x32xf32> -> vector<1024x32xf32>
      %add3A_782 = arith.addf %add3A_762, %dot_general3A_781 : vector<1024x32xf32>
      %get3A_783 = arith.constant 2 : index
      %get3A_784 = arith.constant 0 : index
      %get3A_785 = arith.constant 2 : index
      %get3A_786 = arith.constant 0 : index
      %get3A_787 = arith.constant 0 : index
      %get3A_788 = vector.load %arg4[%get3A_783, %get3A_784, %get3A_785, %get3A_786, %get3A_787] : memref<4x64x16x16x128xbf16, #tpu.memory_space<vmem>>, vector<1x64x1x16x128xbf16>
      %get3A_789 = vector.shape_cast %get3A_788 : vector<1x64x1x16x128xbf16> to vector<64x16x128xbf16>
      %reshape3A_790 = vector.shape_cast %get3A_789 : vector<64x16x128xbf16> to vector<1024x128xbf16>
      %mul3A_791 = arith.constant 16 : i32
      %mul3A_792 = arith.muli %add3A_727, %mul3A_791 : i32
      %add3A_793 = arith.constant 2 : i32
      %add3A_794 = arith.addi %mul3A_792, %add3A_793 : i32
      %mul3A_795 = arith.constant 128 : i32
      %mul3A_796 = arith.muli %add3A_794, %mul3A_795 : i32
      %get3A_797 = arith.index_cast %mul3A_796 : i32 to index
      %get3A_798 = arith.constant 0 : index
      %get3A_799 = vector.load %arg1[%get3A_797, %get3A_798] : memref<81920x32xbf16, #tpu.memory_space<vmem>>, vector<128x32xbf16>
      %dot_general3A_800 = arith.constant dense<0.000000e+00> : vector<1024x32xf32>
      %dot_general3A_801 = tpu.matmul %reshape3A_790, %get3A_799, %dot_general3A_800 {dimension_numbers = #tpu.dot_dimension_numbers<[1], [0], [0], [1], [0, 0, 1, 1], [], []>, transpose_lhs_hint = false} : vector<1024x128xbf16>, vector<128x32xbf16>, vector<1024x32xf32> -> vector<1024x32xf32>
      %add3A_802 = arith.addf %add3A_782, %dot_general3A_801 : vector<1024x32xf32>
      %get3A_803 = arith.constant 2 : index
      %get3A_804 = arith.constant 0 : index
      %get3A_805 = arith.constant 3 : index
      %get3A_806 = arith.constant 0 : index
      %get3A_807 = arith.constant 0 : index
      %get3A_808 = vector.load %arg4[%get3A_803, %get3A_804, %get3A_805, %get3A_806, %get3A_807] : memref<4x64x16x16x128xbf16, #tpu.memory_space<vmem>>, vector<1x64x1x16x128xbf16>
      %get3A_809 = vector.shape_cast %get3A_808 : vector<1x64x1x16x128xbf16> to vector<64x16x128xbf16>
      %reshape3A_810 = vector.shape_cast %get3A_809 : vector<64x16x128xbf16> to vector<1024x128xbf16>
      %mul3A_811 = arith.constant 16 : i32
      %mul3A_812 = arith.muli %add3A_727, %mul3A_811 : i32
      %add3A_813 = arith.constant 3 : i32
      %add3A_814 = arith.addi %mul3A_812, %add3A_813 : i32
      %mul3A_815 = arith.constant 128 : i32
      %mul3A_816 = arith.muli %add3A_814, %mul3A_815 : i32
      %get3A_817 = arith.index_cast %mul3A_816 : i32 to index
      %get3A_818 = arith.constant 0 : index
      %get3A_819 = vector.load %arg1[%get3A_817, %get3A_818] : memref<81920x32xbf16, #tpu.memory_space<vmem>>, vector<128x32xbf16>
      %dot_general3A_820 = arith.constant dense<0.000000e+00> : vector<1024x32xf32>
      %dot_general3A_821 = tpu.matmul %reshape3A_810, %get3A_819, %dot_general3A_820 {dimension_numbers = #tpu.dot_dimension_numbers<[1], [0], [0], [1], [0, 0, 1, 1], [], []>, transpose_lhs_hint = false} : vector<1024x128xbf16>, vector<128x32xbf16>, vector<1024x32xf32> -> vector<1024x32xf32>
      %add3A_822 = arith.addf %add3A_802, %dot_general3A_821 : vector<1024x32xf32>
      %get3A_823 = arith.constant 2 : index
      %get3A_824 = arith.constant 0 : index
      %get3A_825 = arith.constant 4 : index
      %get3A_826 = arith.constant 0 : index
      %get3A_827 = arith.constant 0 : index
      %get3A_828 = vector.load %arg4[%get3A_823, %get3A_824, %get3A_825, %get3A_826, %get3A_827] : memref<4x64x16x16x128xbf16, #tpu.memory_space<vmem>>, vector<1x64x1x16x128xbf16>
      %get3A_829 = vector.shape_cast %get3A_828 : vector<1x64x1x16x128xbf16> to vector<64x16x128xbf16>
      %reshape3A_830 = vector.shape_cast %get3A_829 : vector<64x16x128xbf16> to vector<1024x128xbf16>
      %mul3A_831 = arith.constant 16 : i32
      %mul3A_832 = arith.muli %add3A_727, %mul3A_831 : i32
      %add3A_833 = arith.constant 4 : i32
      %add3A_834 = arith.addi %mul3A_832, %add3A_833 : i32
      %mul3A_835 = arith.constant 128 : i32
      %mul3A_836 = arith.muli %add3A_834, %mul3A_835 : i32
      %get3A_837 = arith.index_cast %mul3A_836 : i32 to index
      %get3A_838 = arith.constant 0 : index
      %get3A_839 = vector.load %arg1[%get3A_837, %get3A_838] : memref<81920x32xbf16, #tpu.memory_space<vmem>>, vector<128x32xbf16>
      %dot_general3A_840 = arith.constant dense<0.000000e+00> : vector<1024x32xf32>
      %dot_general3A_841 = tpu.matmul %reshape3A_830, %get3A_839, %dot_general3A_840 {dimension_numbers = #tpu.dot_dimension_numbers<[1], [0], [0], [1], [0, 0, 1, 1], [], []>, transpose_lhs_hint = false} : vector<1024x128xbf16>, vector<128x32xbf16>, vector<1024x32xf32> -> vector<1024x32xf32>
      %add3A_842 = arith.addf %add3A_822, %dot_general3A_841 : vector<1024x32xf32>
      %get3A_843 = arith.constant 2 : index
      %get3A_844 = arith.constant 0 : index
      %get3A_845 = arith.constant 5 : index
      %get3A_846 = arith.constant 0 : index
      %get3A_847 = arith.constant 0 : index
      %get3A_848 = vector.load %arg4[%get3A_843, %get3A_844, %get3A_845, %get3A_846, %get3A_847] : memref<4x64x16x16x128xbf16, #tpu.memory_space<vmem>>, vector<1x64x1x16x128xbf16>
      %get3A_849 = vector.shape_cast %get3A_848 : vector<1x64x1x16x128xbf16> to vector<64x16x128xbf16>
      %reshape3A_850 = vector.shape_cast %get3A_849 : vector<64x16x128xbf16> to vector<1024x128xbf16>
      %mul3A_851 = arith.constant 16 : i32
      %mul3A_852 = arith.muli %add3A_727, %mul3A_851 : i32
      %add3A_853 = arith.constant 5 : i32
      %add3A_854 = arith.addi %mul3A_852, %add3A_853 : i32
      %mul3A_855 = arith.constant 128 : i32
      %mul3A_856 = arith.muli %add3A_854, %mul3A_855 : i32
      %get3A_857 = arith.index_cast %mul3A_856 : i32 to index
      %get3A_858 = arith.constant 0 : index
      %get3A_859 = vector.load %arg1[%get3A_857, %get3A_858] : memref<81920x32xbf16, #tpu.memory_space<vmem>>, vector<128x32xbf16>
      %dot_general3A_860 = arith.constant dense<0.000000e+00> : vector<1024x32xf32>
      %dot_general3A_861 = tpu.matmul %reshape3A_850, %get3A_859, %dot_general3A_860 {dimension_numbers = #tpu.dot_dimension_numbers<[1], [0], [0], [1], [0, 0, 1, 1], [], []>, transpose_lhs_hint = false} : vector<1024x128xbf16>, vector<128x32xbf16>, vector<1024x32xf32> -> vector<1024x32xf32>
      %add3A_862 = arith.addf %add3A_842, %dot_general3A_861 : vector<1024x32xf32>
      %get3A_863 = arith.constant 2 : index
      %get3A_864 = arith.constant 0 : index
      %get3A_865 = arith.constant 6 : index
      %get3A_866 = arith.constant 0 : index
      %get3A_867 = arith.constant 0 : index
      %get3A_868 = vector.load %arg4[%get3A_863, %get3A_864, %get3A_865, %get3A_866, %get3A_867] : memref<4x64x16x16x128xbf16, #tpu.memory_space<vmem>>, vector<1x64x1x16x128xbf16>
      %get3A_869 = vector.shape_cast %get3A_868 : vector<1x64x1x16x128xbf16> to vector<64x16x128xbf16>
      %reshape3A_870 = vector.shape_cast %get3A_869 : vector<64x16x128xbf16> to vector<1024x128xbf16>
      %mul3A_871 = arith.constant 16 : i32
      %mul3A_872 = arith.muli %add3A_727, %mul3A_871 : i32
      %add3A_873 = arith.constant 6 : i32
      %add3A_874 = arith.addi %mul3A_872, %add3A_873 : i32
      %mul3A_875 = arith.constant 128 : i32
      %mul3A_876 = arith.muli %add3A_874, %mul3A_875 : i32
      %get3A_877 = arith.index_cast %mul3A_876 : i32 to index
      %get3A_878 = arith.constant 0 : index
      %get3A_879 = vector.load %arg1[%get3A_877, %get3A_878] : memref<81920x32xbf16, #tpu.memory_space<vmem>>, vector<128x32xbf16>
      %dot_general3A_880 = arith.constant dense<0.000000e+00> : vector<1024x32xf32>
      %dot_general3A_881 = tpu.matmul %reshape3A_870, %get3A_879, %dot_general3A_880 {dimension_numbers = #tpu.dot_dimension_numbers<[1], [0], [0], [1], [0, 0, 1, 1], [], []>, transpose_lhs_hint = false} : vector<1024x128xbf16>, vector<128x32xbf16>, vector<1024x32xf32> -> vector<1024x32xf32>
      %add3A_882 = arith.addf %add3A_862, %dot_general3A_881 : vector<1024x32xf32>
      %get3A_883 = arith.constant 2 : index
      %get3A_884 = arith.constant 0 : index
      %get3A_885 = arith.constant 7 : index
      %get3A_886 = arith.constant 0 : index
      %get3A_887 = arith.constant 0 : index
      %get3A_888 = vector.load %arg4[%get3A_883, %get3A_884, %get3A_885, %get3A_886, %get3A_887] : memref<4x64x16x16x128xbf16, #tpu.memory_space<vmem>>, vector<1x64x1x16x128xbf16>
      %get3A_889 = vector.shape_cast %get3A_888 : vector<1x64x1x16x128xbf16> to vector<64x16x128xbf16>
      %reshape3A_890 = vector.shape_cast %get3A_889 : vector<64x16x128xbf16> to vector<1024x128xbf16>
      %mul3A_891 = arith.constant 16 : i32
      %mul3A_892 = arith.muli %add3A_727, %mul3A_891 : i32
      %add3A_893 = arith.constant 7 : i32
      %add3A_894 = arith.addi %mul3A_892, %add3A_893 : i32
      %mul3A_895 = arith.constant 128 : i32
      %mul3A_896 = arith.muli %add3A_894, %mul3A_895 : i32
      %get3A_897 = arith.index_cast %mul3A_896 : i32 to index
      %get3A_898 = arith.constant 0 : index
      %get3A_899 = vector.load %arg1[%get3A_897, %get3A_898] : memref<81920x32xbf16, #tpu.memory_space<vmem>>, vector<128x32xbf16>
      %dot_general3A_900 = arith.constant dense<0.000000e+00> : vector<1024x32xf32>
      %dot_general3A_901 = tpu.matmul %reshape3A_890, %get3A_899, %dot_general3A_900 {dimension_numbers = #tpu.dot_dimension_numbers<[1], [0], [0], [1], [0, 0, 1, 1], [], []>, transpose_lhs_hint = false} : vector<1024x128xbf16>, vector<128x32xbf16>, vector<1024x32xf32> -> vector<1024x32xf32>
      %add3A_902 = arith.addf %add3A_882, %dot_general3A_901 : vector<1024x32xf32>
      %get3A_903 = arith.constant 2 : index
      %get3A_904 = arith.constant 0 : index
      %get3A_905 = arith.constant 8 : index
      %get3A_906 = arith.constant 0 : index
      %get3A_907 = arith.constant 0 : index
      %get3A_908 = vector.load %arg4[%get3A_903, %get3A_904, %get3A_905, %get3A_906, %get3A_907] : memref<4x64x16x16x128xbf16, #tpu.memory_space<vmem>>, vector<1x64x1x16x128xbf16>
      %get3A_909 = vector.shape_cast %get3A_908 : vector<1x64x1x16x128xbf16> to vector<64x16x128xbf16>
      %reshape3A_910 = vector.shape_cast %get3A_909 : vector<64x16x128xbf16> to vector<1024x128xbf16>
      %mul3A_911 = arith.constant 16 : i32
      %mul3A_912 = arith.muli %add3A_727, %mul3A_911 : i32
      %add3A_913 = arith.constant 8 : i32
      %add3A_914 = arith.addi %mul3A_912, %add3A_913 : i32
      %mul3A_915 = arith.constant 128 : i32
      %mul3A_916 = arith.muli %add3A_914, %mul3A_915 : i32
      %get3A_917 = arith.index_cast %mul3A_916 : i32 to index
      %get3A_918 = arith.constant 0 : index
      %get3A_919 = vector.load %arg1[%get3A_917, %get3A_918] : memref<81920x32xbf16, #tpu.memory_space<vmem>>, vector<128x32xbf16>
      %dot_general3A_920 = arith.constant dense<0.000000e+00> : vector<1024x32xf32>
      %dot_general3A_921 = tpu.matmul %reshape3A_910, %get3A_919, %dot_general3A_920 {dimension_numbers = #tpu.dot_dimension_numbers<[1], [0], [0], [1], [0, 0, 1, 1], [], []>, transpose_lhs_hint = false} : vector<1024x128xbf16>, vector<128x32xbf16>, vector<1024x32xf32> -> vector<1024x32xf32>
      %add3A_922 = arith.addf %add3A_902, %dot_general3A_921 : vector<1024x32xf32>
      %get3A_923 = arith.constant 2 : index
      %get3A_924 = arith.constant 0 : index
      %get3A_925 = arith.constant 9 : index
      %get3A_926 = arith.constant 0 : index
      %get3A_927 = arith.constant 0 : index
      %get3A_928 = vector.load %arg4[%get3A_923, %get3A_924, %get3A_925, %get3A_926, %get3A_927] : memref<4x64x16x16x128xbf16, #tpu.memory_space<vmem>>, vector<1x64x1x16x128xbf16>
      %get3A_929 = vector.shape_cast %get3A_928 : vector<1x64x1x16x128xbf16> to vector<64x16x128xbf16>
      %reshape3A_930 = vector.shape_cast %get3A_929 : vector<64x16x128xbf16> to vector<1024x128xbf16>
      %mul3A_931 = arith.constant 16 : i32
      %mul3A_932 = arith.muli %add3A_727, %mul3A_931 : i32
      %add3A_933 = arith.constant 9 : i32
      %add3A_934 = arith.addi %mul3A_932, %add3A_933 : i32
      %mul3A_935 = arith.constant 128 : i32
      %mul3A_936 = arith.muli %add3A_934, %mul3A_935 : i32
      %get3A_937 = arith.index_cast %mul3A_936 : i32 to index
      %get3A_938 = arith.constant 0 : index
      %get3A_939 = vector.load %arg1[%get3A_937, %get3A_938] : memref<81920x32xbf16, #tpu.memory_space<vmem>>, vector<128x32xbf16>
      %dot_general3A_940 = arith.constant dense<0.000000e+00> : vector<1024x32xf32>
      %dot_general3A_941 = tpu.matmul %reshape3A_930, %get3A_939, %dot_general3A_940 {dimension_numbers = #tpu.dot_dimension_numbers<[1], [0], [0], [1], [0, 0, 1, 1], [], []>, transpose_lhs_hint = false} : vector<1024x128xbf16>, vector<128x32xbf16>, vector<1024x32xf32> -> vector<1024x32xf32>
      %add3A_942 = arith.addf %add3A_922, %dot_general3A_941 : vector<1024x32xf32>
      %get3A_943 = arith.constant 2 : index
      %get3A_944 = arith.constant 0 : index
      %get3A_945 = arith.constant 10 : index
      %get3A_946 = arith.constant 0 : index
      %get3A_947 = arith.constant 0 : index
      %get3A_948 = vector.load %arg4[%get3A_943, %get3A_944, %get3A_945, %get3A_946, %get3A_947] : memref<4x64x16x16x128xbf16, #tpu.memory_space<vmem>>, vector<1x64x1x16x128xbf16>
      %get3A_949 = vector.shape_cast %get3A_948 : vector<1x64x1x16x128xbf16> to vector<64x16x128xbf16>
      %reshape3A_950 = vector.shape_cast %get3A_949 : vector<64x16x128xbf16> to vector<1024x128xbf16>
      %mul3A_951 = arith.constant 16 : i32
      %mul3A_952 = arith.muli %add3A_727, %mul3A_951 : i32
      %add3A_953 = arith.constant 10 : i32
      %add3A_954 = arith.addi %mul3A_952, %add3A_953 : i32
      %mul3A_955 = arith.constant 128 : i32
      %mul3A_956 = arith.muli %add3A_954, %mul3A_955 : i32
      %get3A_957 = arith.index_cast %mul3A_956 : i32 to index
      %get3A_958 = arith.constant 0 : index
      %get3A_959 = vector.load %arg1[%get3A_957, %get3A_958] : memref<81920x32xbf16, #tpu.memory_space<vmem>>, vector<128x32xbf16>
      %dot_general3A_960 = arith.constant dense<0.000000e+00> : vector<1024x32xf32>
      %dot_general3A_961 = tpu.matmul %reshape3A_950, %get3A_959, %dot_general3A_960 {dimension_numbers = #tpu.dot_dimension_numbers<[1], [0], [0], [1], [0, 0, 1, 1], [], []>, transpose_lhs_hint = false} : vector<1024x128xbf16>, vector<128x32xbf16>, vector<1024x32xf32> -> vector<1024x32xf32>
      %add3A_962 = arith.addf %add3A_942, %dot_general3A_961 : vector<1024x32xf32>
      %get3A_963 = arith.constant 2 : index
      %get3A_964 = arith.constant 0 : index
      %get3A_965 = arith.constant 11 : index
      %get3A_966 = arith.constant 0 : index
      %get3A_967 = arith.constant 0 : index
      %get3A_968 = vector.load %arg4[%get3A_963, %get3A_964, %get3A_965, %get3A_966, %get3A_967] : memref<4x64x16x16x128xbf16, #tpu.memory_space<vmem>>, vector<1x64x1x16x128xbf16>
      %get3A_969 = vector.shape_cast %get3A_968 : vector<1x64x1x16x128xbf16> to vector<64x16x128xbf16>
      %reshape3A_970 = vector.shape_cast %get3A_969 : vector<64x16x128xbf16> to vector<1024x128xbf16>
      %mul3A_971 = arith.constant 16 : i32
      %mul3A_972 = arith.muli %add3A_727, %mul3A_971 : i32
      %add3A_973 = arith.constant 11 : i32
      %add3A_974 = arith.addi %mul3A_972, %add3A_973 : i32
      %mul3A_975 = arith.constant 128 : i32
      %mul3A_976 = arith.muli %add3A_974, %mul3A_975 : i32
      %get3A_977 = arith.index_cast %mul3A_976 : i32 to index
      %get3A_978 = arith.constant 0 : index
      %get3A_979 = vector.load %arg1[%get3A_977, %get3A_978] : memref<81920x32xbf16, #tpu.memory_space<vmem>>, vector<128x32xbf16>
      %dot_general3A_980 = arith.constant dense<0.000000e+00> : vector<1024x32xf32>
      %dot_general3A_981 = tpu.matmul %reshape3A_970, %get3A_979, %dot_general3A_980 {dimension_numbers = #tpu.dot_dimension_numbers<[1], [0], [0], [1], [0, 0, 1, 1], [], []>, transpose_lhs_hint = false} : vector<1024x128xbf16>, vector<128x32xbf16>, vector<1024x32xf32> -> vector<1024x32xf32>
      %add3A_982 = arith.addf %add3A_962, %dot_general3A_981 : vector<1024x32xf32>
      %get3A_983 = arith.constant 2 : index
      %get3A_984 = arith.constant 0 : index
      %get3A_985 = arith.constant 12 : index
      %get3A_986 = arith.constant 0 : index
      %get3A_987 = arith.constant 0 : index
      %get3A_988 = vector.load %arg4[%get3A_983, %get3A_984, %get3A_985, %get3A_986, %get3A_987] : memref<4x64x16x16x128xbf16, #tpu.memory_space<vmem>>, vector<1x64x1x16x128xbf16>
      %get3A_989 = vector.shape_cast %get3A_988 : vector<1x64x1x16x128xbf16> to vector<64x16x128xbf16>
      %reshape3A_990 = vector.shape_cast %get3A_989 : vector<64x16x128xbf16> to vector<1024x128xbf16>
      %mul3A_991 = arith.constant 16 : i32
      %mul3A_992 = arith.muli %add3A_727, %mul3A_991 : i32
      %add3A_993 = arith.constant 12 : i32
      %add3A_994 = arith.addi %mul3A_992, %add3A_993 : i32
      %mul3A_995 = arith.constant 128 : i32
      %mul3A_996 = arith.muli %add3A_994, %mul3A_995 : i32
      %get3A_997 = arith.index_cast %mul3A_996 : i32 to index
      %get3A_998 = arith.constant 0 : index
      %get3A_999 = vector.load %arg1[%get3A_997, %get3A_998] : memref<81920x32xbf16, #tpu.memory_space<vmem>>, vector<128x32xbf16>
      %dot_general3A_1000 = arith.constant dense<0.000000e+00> : vector<1024x32xf32>
      %dot_general3A_1001 = tpu.matmul %reshape3A_990, %get3A_999, %dot_general3A_1000 {dimension_numbers = #tpu.dot_dimension_numbers<[1], [0], [0], [1], [0, 0, 1, 1], [], []>, transpose_lhs_hint = false} : vector<1024x128xbf16>, vector<128x32xbf16>, vector<1024x32xf32> -> vector<1024x32xf32>
      %add3A_1002 = arith.addf %add3A_982, %dot_general3A_1001 : vector<1024x32xf32>
      %get3A_1003 = arith.constant 2 : index
      %get3A_1004 = arith.constant 0 : index
      %get3A_1005 = arith.constant 13 : index
      %get3A_1006 = arith.constant 0 : index
      %get3A_1007 = arith.constant 0 : index
      %get3A_1008 = vector.load %arg4[%get3A_1003, %get3A_1004, %get3A_1005, %get3A_1006, %get3A_1007] : memref<4x64x16x16x128xbf16, #tpu.memory_space<vmem>>, vector<1x64x1x16x128xbf16>
      %get3A_1009 = vector.shape_cast %get3A_1008 : vector<1x64x1x16x128xbf16> to vector<64x16x128xbf16>
      %reshape3A_1010 = vector.shape_cast %get3A_1009 : vector<64x16x128xbf16> to vector<1024x128xbf16>
      %mul3A_1011 = arith.constant 16 : i32
      %mul3A_1012 = arith.muli %add3A_727, %mul3A_1011 : i32
      %add3A_1013 = arith.constant 13 : i32
      %add3A_1014 = arith.addi %mul3A_1012, %add3A_1013 : i32
      %mul3A_1015 = arith.constant 128 : i32
      %mul3A_1016 = arith.muli %add3A_1014, %mul3A_1015 : i32
      %get3A_1017 = arith.index_cast %mul3A_1016 : i32 to index
      %get3A_1018 = arith.constant 0 : index
      %get3A_1019 = vector.load %arg1[%get3A_1017, %get3A_1018] : memref<81920x32xbf16, #tpu.memory_space<vmem>>, vector<128x32xbf16>
      %dot_general3A_1020 = arith.constant dense<0.000000e+00> : vector<1024x32xf32>
      %dot_general3A_1021 = tpu.matmul %reshape3A_1010, %get3A_1019, %dot_general3A_1020 {dimension_numbers = #tpu.dot_dimension_numbers<[1], [0], [0], [1], [0, 0, 1, 1], [], []>, transpose_lhs_hint = false} : vector<1024x128xbf16>, vector<128x32xbf16>, vector<1024x32xf32> -> vector<1024x32xf32>
      %add3A_1022 = arith.addf %add3A_1002, %dot_general3A_1021 : vector<1024x32xf32>
      %get3A_1023 = arith.constant 2 : index
      %get3A_1024 = arith.constant 0 : index
      %get3A_1025 = arith.constant 14 : index
      %get3A_1026 = arith.constant 0 : index
      %get3A_1027 = arith.constant 0 : index
      %get3A_1028 = vector.load %arg4[%get3A_1023, %get3A_1024, %get3A_1025, %get3A_1026, %get3A_1027] : memref<4x64x16x16x128xbf16, #tpu.memory_space<vmem>>, vector<1x64x1x16x128xbf16>
      %get3A_1029 = vector.shape_cast %get3A_1028 : vector<1x64x1x16x128xbf16> to vector<64x16x128xbf16>
      %reshape3A_1030 = vector.shape_cast %get3A_1029 : vector<64x16x128xbf16> to vector<1024x128xbf16>
      %mul3A_1031 = arith.constant 16 : i32
      %mul3A_1032 = arith.muli %add3A_727, %mul3A_1031 : i32
      %add3A_1033 = arith.constant 14 : i32
      %add3A_1034 = arith.addi %mul3A_1032, %add3A_1033 : i32
      %mul3A_1035 = arith.constant 128 : i32
      %mul3A_1036 = arith.muli %add3A_1034, %mul3A_1035 : i32
      %get3A_1037 = arith.index_cast %mul3A_1036 : i32 to index
      %get3A_1038 = arith.constant 0 : index
      %get3A_1039 = vector.load %arg1[%get3A_1037, %get3A_1038] : memref<81920x32xbf16, #tpu.memory_space<vmem>>, vector<128x32xbf16>
      %dot_general3A_1040 = arith.constant dense<0.000000e+00> : vector<1024x32xf32>
      %dot_general3A_1041 = tpu.matmul %reshape3A_1030, %get3A_1039, %dot_general3A_1040 {dimension_numbers = #tpu.dot_dimension_numbers<[1], [0], [0], [1], [0, 0, 1, 1], [], []>, transpose_lhs_hint = false} : vector<1024x128xbf16>, vector<128x32xbf16>, vector<1024x32xf32> -> vector<1024x32xf32>
      %add3A_1042 = arith.addf %add3A_1022, %dot_general3A_1041 : vector<1024x32xf32>
      %get3A_1043 = arith.constant 2 : index
      %get3A_1044 = arith.constant 0 : index
      %get3A_1045 = arith.constant 15 : index
      %get3A_1046 = arith.constant 0 : index
      %get3A_1047 = arith.constant 0 : index
      %get3A_1048 = vector.load %arg4[%get3A_1043, %get3A_1044, %get3A_1045, %get3A_1046, %get3A_1047] : memref<4x64x16x16x128xbf16, #tpu.memory_space<vmem>>, vector<1x64x1x16x128xbf16>
      %get3A_1049 = vector.shape_cast %get3A_1048 : vector<1x64x1x16x128xbf16> to vector<64x16x128xbf16>
      %reshape3A_1050 = vector.shape_cast %get3A_1049 : vector<64x16x128xbf16> to vector<1024x128xbf16>
      %mul3A_1051 = arith.constant 16 : i32
      %mul3A_1052 = arith.muli %add3A_727, %mul3A_1051 : i32
      %add3A_1053 = arith.constant 15 : i32
      %add3A_1054 = arith.addi %mul3A_1052, %add3A_1053 : i32
      %mul3A_1055 = arith.constant 128 : i32
      %mul3A_1056 = arith.muli %add3A_1054, %mul3A_1055 : i32
      %get3A_1057 = arith.index_cast %mul3A_1056 : i32 to index
      %get3A_1058 = arith.constant 0 : index
      %get3A_1059 = vector.load %arg1[%get3A_1057, %get3A_1058] : memref<81920x32xbf16, #tpu.memory_space<vmem>>, vector<128x32xbf16>
      %dot_general3A_1060 = arith.constant dense<0.000000e+00> : vector<1024x32xf32>
      %dot_general3A_1061 = tpu.matmul %reshape3A_1050, %get3A_1059, %dot_general3A_1060 {dimension_numbers = #tpu.dot_dimension_numbers<[1], [0], [0], [1], [0, 0, 1, 1], [], []>, transpose_lhs_hint = false} : vector<1024x128xbf16>, vector<128x32xbf16>, vector<1024x32xf32> -> vector<1024x32xf32>
      %add3A_1062 = arith.addf %add3A_1042, %dot_general3A_1061 : vector<1024x32xf32>
      %add3A_1063 = arith.constant 4 : i32
      %add3A_1064 = arith.addi %add3A_727, %add3A_1063 : i32
      %lt3A_1065 = arith.constant 40 : i32
      %lt3A_1066 = arith.cmpi slt, %add3A_1064, %lt3A_1065 : i32
      %convert_element_type3A_1067 = arith.extui %lt3A_1066 : i1 to i32
      %cond3A_1068 = arith.constant 0 : i32
      %cond3A_1069 = arith.cmpi ne, %convert_element_type3A_1067, %cond3A_1068 : i32
      scf.if %cond3A_1069 {
        %mul3A_1416 = arith.constant 16 : i32
        %mul3A_1417 = arith.muli %add3A_1064, %mul3A_1416 : i32
        %dma_start3A = arith.constant 2 : i32
        %dma_start3A_1418 = arith.constant 2 : i32
        %dma_start3A_1419 = tpu.memref_slice %arg5[%dma_start3A_1418] : memref<4x!tpu.dma_semaphore, #tpu.memory_space<semaphore_mem>> -> memref<1x!tpu.dma_semaphore, #tpu.memory_space<semaphore_mem>>
        %dma_start3A_1420 = tpu.memref_squeeze %dma_start3A_1419 : memref<1x!tpu.dma_semaphore, #tpu.memory_space<semaphore_mem>> -> memref<!tpu.dma_semaphore, #tpu.memory_space<semaphore_mem>>
        %dma_start3A_1421 = arith.constant 0 : i32
        %dma_start3A_1422 = arith.constant 0 : i32
        %dma_start3A_1423 = arith.constant 0 : i32
        %dma_start3A_1424 = arith.constant 0 : i32
        %dma_start3A_1425 = tpu.memref_slice %arg4[%dma_start3A, %dma_start3A_1421, %dma_start3A_1422, %dma_start3A_1423, %dma_start3A_1424] : memref<4x64x16x16x128xbf16, #tpu.memory_space<vmem>> -> memref<1x64x16x16x128xbf16, #tpu.memory_space<vmem>>
        %dma_start3A_1426 = tpu.memref_squeeze %dma_start3A_1425 : memref<1x64x16x16x128xbf16, #tpu.memory_space<vmem>> -> memref<64x16x16x128xbf16, #tpu.memory_space<vmem>>
        %dma_start3A_1427 = arith.constant 0 : i32
        %dma_start3A_1428 = arith.constant 0 : i32
        %dma_start3A_1429 = arith.constant 0 : i32
        %dma_start3A_1430 = tpu.memref_slice %arg0[%dma_start3A_1427, %mul3A_1417, %dma_start3A_1428, %dma_start3A_1429] : memref<64x640x16x128xbf16, #tpu.memory_space<hbm>> -> memref<64x16x16x128xbf16, #tpu.memory_space<hbm>>
        tpu.enqueue_dma source(%dma_start3A_1430 : memref<64x16x16x128xbf16, #tpu.memory_space<hbm>>) target(%dma_start3A_1426 : memref<64x16x16x128xbf16, #tpu.memory_space<vmem>>) target_semaphore(%dma_start3A_1420 : memref<!tpu.dma_semaphore, #tpu.memory_space<semaphore_mem>>)
      } else {
      }
      %mul3A_1070 = arith.constant 4 : i32
      %mul3A_1071 = arith.muli %scan3A_35, %mul3A_1070 : i32
      %add3A_1072 = arith.constant 3 : i32
      %add3A_1073 = arith.addi %mul3A_1071, %add3A_1072 : i32
      %dma_wait3A_1074 = arith.constant 3 : i32
      %dma_wait3A_1075 = arith.constant 3 : i32
      %dma_wait3A_1076 = tpu.memref_slice %arg5[%dma_wait3A_1075] : memref<4x!tpu.dma_semaphore, #tpu.memory_space<semaphore_mem>> -> memref<1x!tpu.dma_semaphore, #tpu.memory_space<semaphore_mem>>
      %dma_wait3A_1077 = tpu.memref_squeeze %dma_wait3A_1076 : memref<1x!tpu.dma_semaphore, #tpu.memory_space<semaphore_mem>> -> memref<!tpu.dma_semaphore, #tpu.memory_space<semaphore_mem>>
      %dma_wait3A_1078 = arith.constant 0 : i32
      %dma_wait3A_1079 = arith.constant 0 : i32
      %dma_wait3A_1080 = arith.constant 0 : i32
      %dma_wait3A_1081 = arith.constant 0 : i32
      %dma_wait3A_1082 = tpu.memref_slice %arg4[%dma_wait3A_1074, %dma_wait3A_1078, %dma_wait3A_1079, %dma_wait3A_1080, %dma_wait3A_1081] : memref<4x64x16x16x128xbf16, #tpu.memory_space<vmem>> -> memref<1x64x16x16x128xbf16, #tpu.memory_space<vmem>>
      %dma_wait3A_1083 = tpu.memref_squeeze %dma_wait3A_1082 : memref<1x64x16x16x128xbf16, #tpu.memory_space<vmem>> -> memref<64x16x16x128xbf16, #tpu.memory_space<vmem>>
      %dma_wait3A_1084 = arith.constant 0 : i32
      %dma_wait3A_1085 = arith.constant 0 : i32
      %dma_wait3A_1086 = arith.constant 0 : i32
      %dma_wait3A_1087 = arith.constant 0 : i32
      %dma_wait3A_1088 = tpu.memref_slice %arg0[%dma_wait3A_1084, %dma_wait3A_1085, %dma_wait3A_1086, %dma_wait3A_1087] : memref<64x640x16x128xbf16, #tpu.memory_space<hbm>> -> memref<64x16x16x128xbf16, #tpu.memory_space<hbm>>
      tpu.wait_dma2 semaphore(%dma_wait3A_1077 : memref<!tpu.dma_semaphore, #tpu.memory_space<semaphore_mem>>) src(%dma_wait3A_1088 : memref<64x16x16x128xbf16, #tpu.memory_space<hbm>>) dst(%dma_wait3A_1083 : memref<64x16x16x128xbf16, #tpu.memory_space<vmem>>)
      %get3A_1089 = arith.constant 3 : index
      %get3A_1090 = arith.constant 0 : index
      %get3A_1091 = arith.constant 0 : index
      %get3A_1092 = arith.constant 0 : index
      %get3A_1093 = arith.constant 0 : index
      %get3A_1094 = vector.load %arg4[%get3A_1089, %get3A_1090, %get3A_1091, %get3A_1092, %get3A_1093] : memref<4x64x16x16x128xbf16, #tpu.memory_space<vmem>>, vector<1x64x1x16x128xbf16>
      %get3A_1095 = vector.shape_cast %get3A_1094 : vector<1x64x1x16x128xbf16> to vector<64x16x128xbf16>
      %reshape3A_1096 = vector.shape_cast %get3A_1095 : vector<64x16x128xbf16> to vector<1024x128xbf16>
      %mul3A_1097 = arith.constant 16 : i32
      %mul3A_1098 = arith.muli %add3A_1073, %mul3A_1097 : i32
      %add3A_1099 = arith.constant 0 : i32
      %add3A_1100 = arith.addi %mul3A_1098, %add3A_1099 : i32
      %mul3A_1101 = arith.constant 128 : i32
      %mul3A_1102 = arith.muli %add3A_1100, %mul3A_1101 : i32
      %get3A_1103 = arith.index_cast %mul3A_1102 : i32 to index
      %get3A_1104 = arith.constant 0 : index
      %get3A_1105 = vector.load %arg1[%get3A_1103, %get3A_1104] : memref<81920x32xbf16, #tpu.memory_space<vmem>>, vector<128x32xbf16>
      %dot_general3A_1106 = arith.constant dense<0.000000e+00> : vector<1024x32xf32>
      %dot_general3A_1107 = tpu.matmul %reshape3A_1096, %get3A_1105, %dot_general3A_1106 {dimension_numbers = #tpu.dot_dimension_numbers<[1], [0], [0], [1], [0, 0, 1, 1], [], []>, transpose_lhs_hint = false} : vector<1024x128xbf16>, vector<128x32xbf16>, vector<1024x32xf32> -> vector<1024x32xf32>
      %add3A_1108 = arith.addf %add3A_1062, %dot_general3A_1107 : vector<1024x32xf32>
      %get3A_1109 = arith.constant 3 : index
      %get3A_1110 = arith.constant 0 : index
      %get3A_1111 = arith.constant 1 : index
      %get3A_1112 = arith.constant 0 : index
      %get3A_1113 = arith.constant 0 : index
      %get3A_1114 = vector.load %arg4[%get3A_1109, %get3A_1110, %get3A_1111, %get3A_1112, %get3A_1113] : memref<4x64x16x16x128xbf16, #tpu.memory_space<vmem>>, vector<1x64x1x16x128xbf16>
      %get3A_1115 = vector.shape_cast %get3A_1114 : vector<1x64x1x16x128xbf16> to vector<64x16x128xbf16>
      %reshape3A_1116 = vector.shape_cast %get3A_1115 : vector<64x16x128xbf16> to vector<1024x128xbf16>
      %mul3A_1117 = arith.constant 16 : i32
      %mul3A_1118 = arith.muli %add3A_1073, %mul3A_1117 : i32
      %add3A_1119 = arith.constant 1 : i32
      %add3A_1120 = arith.addi %mul3A_1118, %add3A_1119 : i32
      %mul3A_1121 = arith.constant 128 : i32
      %mul3A_1122 = arith.muli %add3A_1120, %mul3A_1121 : i32
      %get3A_1123 = arith.index_cast %mul3A_1122 : i32 to index
      %get3A_1124 = arith.constant 0 : index
      %get3A_1125 = vector.load %arg1[%get3A_1123, %get3A_1124] : memref<81920x32xbf16, #tpu.memory_space<vmem>>, vector<128x32xbf16>
      %dot_general3A_1126 = arith.constant dense<0.000000e+00> : vector<1024x32xf32>
      %dot_general3A_1127 = tpu.matmul %reshape3A_1116, %get3A_1125, %dot_general3A_1126 {dimension_numbers = #tpu.dot_dimension_numbers<[1], [0], [0], [1], [0, 0, 1, 1], [], []>, transpose_lhs_hint = false} : vector<1024x128xbf16>, vector<128x32xbf16>, vector<1024x32xf32> -> vector<1024x32xf32>
      %add3A_1128 = arith.addf %add3A_1108, %dot_general3A_1127 : vector<1024x32xf32>
      %get3A_1129 = arith.constant 3 : index
      %get3A_1130 = arith.constant 0 : index
      %get3A_1131 = arith.constant 2 : index
      %get3A_1132 = arith.constant 0 : index
      %get3A_1133 = arith.constant 0 : index
      %get3A_1134 = vector.load %arg4[%get3A_1129, %get3A_1130, %get3A_1131, %get3A_1132, %get3A_1133] : memref<4x64x16x16x128xbf16, #tpu.memory_space<vmem>>, vector<1x64x1x16x128xbf16>
      %get3A_1135 = vector.shape_cast %get3A_1134 : vector<1x64x1x16x128xbf16> to vector<64x16x128xbf16>
      %reshape3A_1136 = vector.shape_cast %get3A_1135 : vector<64x16x128xbf16> to vector<1024x128xbf16>
      %mul3A_1137 = arith.constant 16 : i32
      %mul3A_1138 = arith.muli %add3A_1073, %mul3A_1137 : i32
      %add3A_1139 = arith.constant 2 : i32
      %add3A_1140 = arith.addi %mul3A_1138, %add3A_1139 : i32
      %mul3A_1141 = arith.constant 128 : i32
      %mul3A_1142 = arith.muli %add3A_1140, %mul3A_1141 : i32
      %get3A_1143 = arith.index_cast %mul3A_1142 : i32 to index
      %get3A_1144 = arith.constant 0 : index
      %get3A_1145 = vector.load %arg1[%get3A_1143, %get3A_1144] : memref<81920x32xbf16, #tpu.memory_space<vmem>>, vector<128x32xbf16>
      %dot_general3A_1146 = arith.constant dense<0.000000e+00> : vector<1024x32xf32>
      %dot_general3A_1147 = tpu.matmul %reshape3A_1136, %get3A_1145, %dot_general3A_1146 {dimension_numbers = #tpu.dot_dimension_numbers<[1], [0], [0], [1], [0, 0, 1, 1], [], []>, transpose_lhs_hint = false} : vector<1024x128xbf16>, vector<128x32xbf16>, vector<1024x32xf32> -> vector<1024x32xf32>
      %add3A_1148 = arith.addf %add3A_1128, %dot_general3A_1147 : vector<1024x32xf32>
      %get3A_1149 = arith.constant 3 : index
      %get3A_1150 = arith.constant 0 : index
      %get3A_1151 = arith.constant 3 : index
      %get3A_1152 = arith.constant 0 : index
      %get3A_1153 = arith.constant 0 : index
      %get3A_1154 = vector.load %arg4[%get3A_1149, %get3A_1150, %get3A_1151, %get3A_1152, %get3A_1153] : memref<4x64x16x16x128xbf16, #tpu.memory_space<vmem>>, vector<1x64x1x16x128xbf16>
      %get3A_1155 = vector.shape_cast %get3A_1154 : vector<1x64x1x16x128xbf16> to vector<64x16x128xbf16>
      %reshape3A_1156 = vector.shape_cast %get3A_1155 : vector<64x16x128xbf16> to vector<1024x128xbf16>
      %mul3A_1157 = arith.constant 16 : i32
      %mul3A_1158 = arith.muli %add3A_1073, %mul3A_1157 : i32
      %add3A_1159 = arith.constant 3 : i32
      %add3A_1160 = arith.addi %mul3A_1158, %add3A_1159 : i32
      %mul3A_1161 = arith.constant 128 : i32
      %mul3A_1162 = arith.muli %add3A_1160, %mul3A_1161 : i32
      %get3A_1163 = arith.index_cast %mul3A_1162 : i32 to index
      %get3A_1164 = arith.constant 0 : index
      %get3A_1165 = vector.load %arg1[%get3A_1163, %get3A_1164] : memref<81920x32xbf16, #tpu.memory_space<vmem>>, vector<128x32xbf16>
      %dot_general3A_1166 = arith.constant dense<0.000000e+00> : vector<1024x32xf32>
      %dot_general3A_1167 = tpu.matmul %reshape3A_1156, %get3A_1165, %dot_general3A_1166 {dimension_numbers = #tpu.dot_dimension_numbers<[1], [0], [0], [1], [0, 0, 1, 1], [], []>, transpose_lhs_hint = false} : vector<1024x128xbf16>, vector<128x32xbf16>, vector<1024x32xf32> -> vector<1024x32xf32>
      %add3A_1168 = arith.addf %add3A_1148, %dot_general3A_1167 : vector<1024x32xf32>
      %get3A_1169 = arith.constant 3 : index
      %get3A_1170 = arith.constant 0 : index
      %get3A_1171 = arith.constant 4 : index
      %get3A_1172 = arith.constant 0 : index
      %get3A_1173 = arith.constant 0 : index
      %get3A_1174 = vector.load %arg4[%get3A_1169, %get3A_1170, %get3A_1171, %get3A_1172, %get3A_1173] : memref<4x64x16x16x128xbf16, #tpu.memory_space<vmem>>, vector<1x64x1x16x128xbf16>
      %get3A_1175 = vector.shape_cast %get3A_1174 : vector<1x64x1x16x128xbf16> to vector<64x16x128xbf16>
      %reshape3A_1176 = vector.shape_cast %get3A_1175 : vector<64x16x128xbf16> to vector<1024x128xbf16>
      %mul3A_1177 = arith.constant 16 : i32
      %mul3A_1178 = arith.muli %add3A_1073, %mul3A_1177 : i32
      %add3A_1179 = arith.constant 4 : i32
      %add3A_1180 = arith.addi %mul3A_1178, %add3A_1179 : i32
      %mul3A_1181 = arith.constant 128 : i32
      %mul3A_1182 = arith.muli %add3A_1180, %mul3A_1181 : i32
      %get3A_1183 = arith.index_cast %mul3A_1182 : i32 to index
      %get3A_1184 = arith.constant 0 : index
      %get3A_1185 = vector.load %arg1[%get3A_1183, %get3A_1184] : memref<81920x32xbf16, #tpu.memory_space<vmem>>, vector<128x32xbf16>
      %dot_general3A_1186 = arith.constant dense<0.000000e+00> : vector<1024x32xf32>
      %dot_general3A_1187 = tpu.matmul %reshape3A_1176, %get3A_1185, %dot_general3A_1186 {dimension_numbers = #tpu.dot_dimension_numbers<[1], [0], [0], [1], [0, 0, 1, 1], [], []>, transpose_lhs_hint = false} : vector<1024x128xbf16>, vector<128x32xbf16>, vector<1024x32xf32> -> vector<1024x32xf32>
      %add3A_1188 = arith.addf %add3A_1168, %dot_general3A_1187 : vector<1024x32xf32>
      %get3A_1189 = arith.constant 3 : index
      %get3A_1190 = arith.constant 0 : index
      %get3A_1191 = arith.constant 5 : index
      %get3A_1192 = arith.constant 0 : index
      %get3A_1193 = arith.constant 0 : index
      %get3A_1194 = vector.load %arg4[%get3A_1189, %get3A_1190, %get3A_1191, %get3A_1192, %get3A_1193] : memref<4x64x16x16x128xbf16, #tpu.memory_space<vmem>>, vector<1x64x1x16x128xbf16>
      %get3A_1195 = vector.shape_cast %get3A_1194 : vector<1x64x1x16x128xbf16> to vector<64x16x128xbf16>
      %reshape3A_1196 = vector.shape_cast %get3A_1195 : vector<64x16x128xbf16> to vector<1024x128xbf16>
      %mul3A_1197 = arith.constant 16 : i32
      %mul3A_1198 = arith.muli %add3A_1073, %mul3A_1197 : i32
      %add3A_1199 = arith.constant 5 : i32
      %add3A_1200 = arith.addi %mul3A_1198, %add3A_1199 : i32
      %mul3A_1201 = arith.constant 128 : i32
      %mul3A_1202 = arith.muli %add3A_1200, %mul3A_1201 : i32
      %get3A_1203 = arith.index_cast %mul3A_1202 : i32 to index
      %get3A_1204 = arith.constant 0 : index
      %get3A_1205 = vector.load %arg1[%get3A_1203, %get3A_1204] : memref<81920x32xbf16, #tpu.memory_space<vmem>>, vector<128x32xbf16>
      %dot_general3A_1206 = arith.constant dense<0.000000e+00> : vector<1024x32xf32>
      %dot_general3A_1207 = tpu.matmul %reshape3A_1196, %get3A_1205, %dot_general3A_1206 {dimension_numbers = #tpu.dot_dimension_numbers<[1], [0], [0], [1], [0, 0, 1, 1], [], []>, transpose_lhs_hint = false} : vector<1024x128xbf16>, vector<128x32xbf16>, vector<1024x32xf32> -> vector<1024x32xf32>
      %add3A_1208 = arith.addf %add3A_1188, %dot_general3A_1207 : vector<1024x32xf32>
      %get3A_1209 = arith.constant 3 : index
      %get3A_1210 = arith.constant 0 : index
      %get3A_1211 = arith.constant 6 : index
      %get3A_1212 = arith.constant 0 : index
      %get3A_1213 = arith.constant 0 : index
      %get3A_1214 = vector.load %arg4[%get3A_1209, %get3A_1210, %get3A_1211, %get3A_1212, %get3A_1213] : memref<4x64x16x16x128xbf16, #tpu.memory_space<vmem>>, vector<1x64x1x16x128xbf16>
      %get3A_1215 = vector.shape_cast %get3A_1214 : vector<1x64x1x16x128xbf16> to vector<64x16x128xbf16>
      %reshape3A_1216 = vector.shape_cast %get3A_1215 : vector<64x16x128xbf16> to vector<1024x128xbf16>
      %mul3A_1217 = arith.constant 16 : i32
      %mul3A_1218 = arith.muli %add3A_1073, %mul3A_1217 : i32
      %add3A_1219 = arith.constant 6 : i32
      %add3A_1220 = arith.addi %mul3A_1218, %add3A_1219 : i32
      %mul3A_1221 = arith.constant 128 : i32
      %mul3A_1222 = arith.muli %add3A_1220, %mul3A_1221 : i32
      %get3A_1223 = arith.index_cast %mul3A_1222 : i32 to index
      %get3A_1224 = arith.constant 0 : index
      %get3A_1225 = vector.load %arg1[%get3A_1223, %get3A_1224] : memref<81920x32xbf16, #tpu.memory_space<vmem>>, vector<128x32xbf16>
      %dot_general3A_1226 = arith.constant dense<0.000000e+00> : vector<1024x32xf32>
      %dot_general3A_1227 = tpu.matmul %reshape3A_1216, %get3A_1225, %dot_general3A_1226 {dimension_numbers = #tpu.dot_dimension_numbers<[1], [0], [0], [1], [0, 0, 1, 1], [], []>, transpose_lhs_hint = false} : vector<1024x128xbf16>, vector<128x32xbf16>, vector<1024x32xf32> -> vector<1024x32xf32>
      %add3A_1228 = arith.addf %add3A_1208, %dot_general3A_1227 : vector<1024x32xf32>
      %get3A_1229 = arith.constant 3 : index
      %get3A_1230 = arith.constant 0 : index
      %get3A_1231 = arith.constant 7 : index
      %get3A_1232 = arith.constant 0 : index
      %get3A_1233 = arith.constant 0 : index
      %get3A_1234 = vector.load %arg4[%get3A_1229, %get3A_1230, %get3A_1231, %get3A_1232, %get3A_1233] : memref<4x64x16x16x128xbf16, #tpu.memory_space<vmem>>, vector<1x64x1x16x128xbf16>
      %get3A_1235 = vector.shape_cast %get3A_1234 : vector<1x64x1x16x128xbf16> to vector<64x16x128xbf16>
      %reshape3A_1236 = vector.shape_cast %get3A_1235 : vector<64x16x128xbf16> to vector<1024x128xbf16>
      %mul3A_1237 = arith.constant 16 : i32
      %mul3A_1238 = arith.muli %add3A_1073, %mul3A_1237 : i32
      %add3A_1239 = arith.constant 7 : i32
      %add3A_1240 = arith.addi %mul3A_1238, %add3A_1239 : i32
      %mul3A_1241 = arith.constant 128 : i32
      %mul3A_1242 = arith.muli %add3A_1240, %mul3A_1241 : i32
      %get3A_1243 = arith.index_cast %mul3A_1242 : i32 to index
      %get3A_1244 = arith.constant 0 : index
      %get3A_1245 = vector.load %arg1[%get3A_1243, %get3A_1244] : memref<81920x32xbf16, #tpu.memory_space<vmem>>, vector<128x32xbf16>
      %dot_general3A_1246 = arith.constant dense<0.000000e+00> : vector<1024x32xf32>
      %dot_general3A_1247 = tpu.matmul %reshape3A_1236, %get3A_1245, %dot_general3A_1246 {dimension_numbers = #tpu.dot_dimension_numbers<[1], [0], [0], [1], [0, 0, 1, 1], [], []>, transpose_lhs_hint = false} : vector<1024x128xbf16>, vector<128x32xbf16>, vector<1024x32xf32> -> vector<1024x32xf32>
      %add3A_1248 = arith.addf %add3A_1228, %dot_general3A_1247 : vector<1024x32xf32>
      %get3A_1249 = arith.constant 3 : index
      %get3A_1250 = arith.constant 0 : index
      %get3A_1251 = arith.constant 8 : index
      %get3A_1252 = arith.constant 0 : index
      %get3A_1253 = arith.constant 0 : index
      %get3A_1254 = vector.load %arg4[%get3A_1249, %get3A_1250, %get3A_1251, %get3A_1252, %get3A_1253] : memref<4x64x16x16x128xbf16, #tpu.memory_space<vmem>>, vector<1x64x1x16x128xbf16>
      %get3A_1255 = vector.shape_cast %get3A_1254 : vector<1x64x1x16x128xbf16> to vector<64x16x128xbf16>
      %reshape3A_1256 = vector.shape_cast %get3A_1255 : vector<64x16x128xbf16> to vector<1024x128xbf16>
      %mul3A_1257 = arith.constant 16 : i32
      %mul3A_1258 = arith.muli %add3A_1073, %mul3A_1257 : i32
      %add3A_1259 = arith.constant 8 : i32
      %add3A_1260 = arith.addi %mul3A_1258, %add3A_1259 : i32
      %mul3A_1261 = arith.constant 128 : i32
      %mul3A_1262 = arith.muli %add3A_1260, %mul3A_1261 : i32
      %get3A_1263 = arith.index_cast %mul3A_1262 : i32 to index
      %get3A_1264 = arith.constant 0 : index
      %get3A_1265 = vector.load %arg1[%get3A_1263, %get3A_1264] : memref<81920x32xbf16, #tpu.memory_space<vmem>>, vector<128x32xbf16>
      %dot_general3A_1266 = arith.constant dense<0.000000e+00> : vector<1024x32xf32>
      %dot_general3A_1267 = tpu.matmul %reshape3A_1256, %get3A_1265, %dot_general3A_1266 {dimension_numbers = #tpu.dot_dimension_numbers<[1], [0], [0], [1], [0, 0, 1, 1], [], []>, transpose_lhs_hint = false} : vector<1024x128xbf16>, vector<128x32xbf16>, vector<1024x32xf32> -> vector<1024x32xf32>
      %add3A_1268 = arith.addf %add3A_1248, %dot_general3A_1267 : vector<1024x32xf32>
      %get3A_1269 = arith.constant 3 : index
      %get3A_1270 = arith.constant 0 : index
      %get3A_1271 = arith.constant 9 : index
      %get3A_1272 = arith.constant 0 : index
      %get3A_1273 = arith.constant 0 : index
      %get3A_1274 = vector.load %arg4[%get3A_1269, %get3A_1270, %get3A_1271, %get3A_1272, %get3A_1273] : memref<4x64x16x16x128xbf16, #tpu.memory_space<vmem>>, vector<1x64x1x16x128xbf16>
      %get3A_1275 = vector.shape_cast %get3A_1274 : vector<1x64x1x16x128xbf16> to vector<64x16x128xbf16>
      %reshape3A_1276 = vector.shape_cast %get3A_1275 : vector<64x16x128xbf16> to vector<1024x128xbf16>
      %mul3A_1277 = arith.constant 16 : i32
      %mul3A_1278 = arith.muli %add3A_1073, %mul3A_1277 : i32
      %add3A_1279 = arith.constant 9 : i32
      %add3A_1280 = arith.addi %mul3A_1278, %add3A_1279 : i32
      %mul3A_1281 = arith.constant 128 : i32
      %mul3A_1282 = arith.muli %add3A_1280, %mul3A_1281 : i32
      %get3A_1283 = arith.index_cast %mul3A_1282 : i32 to index
      %get3A_1284 = arith.constant 0 : index
      %get3A_1285 = vector.load %arg1[%get3A_1283, %get3A_1284] : memref<81920x32xbf16, #tpu.memory_space<vmem>>, vector<128x32xbf16>
      %dot_general3A_1286 = arith.constant dense<0.000000e+00> : vector<1024x32xf32>
      %dot_general3A_1287 = tpu.matmul %reshape3A_1276, %get3A_1285, %dot_general3A_1286 {dimension_numbers = #tpu.dot_dimension_numbers<[1], [0], [0], [1], [0, 0, 1, 1], [], []>, transpose_lhs_hint = false} : vector<1024x128xbf16>, vector<128x32xbf16>, vector<1024x32xf32> -> vector<1024x32xf32>
      %add3A_1288 = arith.addf %add3A_1268, %dot_general3A_1287 : vector<1024x32xf32>
      %get3A_1289 = arith.constant 3 : index
      %get3A_1290 = arith.constant 0 : index
      %get3A_1291 = arith.constant 10 : index
      %get3A_1292 = arith.constant 0 : index
      %get3A_1293 = arith.constant 0 : index
      %get3A_1294 = vector.load %arg4[%get3A_1289, %get3A_1290, %get3A_1291, %get3A_1292, %get3A_1293] : memref<4x64x16x16x128xbf16, #tpu.memory_space<vmem>>, vector<1x64x1x16x128xbf16>
      %get3A_1295 = vector.shape_cast %get3A_1294 : vector<1x64x1x16x128xbf16> to vector<64x16x128xbf16>
      %reshape3A_1296 = vector.shape_cast %get3A_1295 : vector<64x16x128xbf16> to vector<1024x128xbf16>
      %mul3A_1297 = arith.constant 16 : i32
      %mul3A_1298 = arith.muli %add3A_1073, %mul3A_1297 : i32
      %add3A_1299 = arith.constant 10 : i32
      %add3A_1300 = arith.addi %mul3A_1298, %add3A_1299 : i32
      %mul3A_1301 = arith.constant 128 : i32
      %mul3A_1302 = arith.muli %add3A_1300, %mul3A_1301 : i32
      %get3A_1303 = arith.index_cast %mul3A_1302 : i32 to index
      %get3A_1304 = arith.constant 0 : index
      %get3A_1305 = vector.load %arg1[%get3A_1303, %get3A_1304] : memref<81920x32xbf16, #tpu.memory_space<vmem>>, vector<128x32xbf16>
      %dot_general3A_1306 = arith.constant dense<0.000000e+00> : vector<1024x32xf32>
      %dot_general3A_1307 = tpu.matmul %reshape3A_1296, %get3A_1305, %dot_general3A_1306 {dimension_numbers = #tpu.dot_dimension_numbers<[1], [0], [0], [1], [0, 0, 1, 1], [], []>, transpose_lhs_hint = false} : vector<1024x128xbf16>, vector<128x32xbf16>, vector<1024x32xf32> -> vector<1024x32xf32>
      %add3A_1308 = arith.addf %add3A_1288, %dot_general3A_1307 : vector<1024x32xf32>
      %get3A_1309 = arith.constant 3 : index
      %get3A_1310 = arith.constant 0 : index
      %get3A_1311 = arith.constant 11 : index
      %get3A_1312 = arith.constant 0 : index
      %get3A_1313 = arith.constant 0 : index
      %get3A_1314 = vector.load %arg4[%get3A_1309, %get3A_1310, %get3A_1311, %get3A_1312, %get3A_1313] : memref<4x64x16x16x128xbf16, #tpu.memory_space<vmem>>, vector<1x64x1x16x128xbf16>
      %get3A_1315 = vector.shape_cast %get3A_1314 : vector<1x64x1x16x128xbf16> to vector<64x16x128xbf16>
      %reshape3A_1316 = vector.shape_cast %get3A_1315 : vector<64x16x128xbf16> to vector<1024x128xbf16>
      %mul3A_1317 = arith.constant 16 : i32
      %mul3A_1318 = arith.muli %add3A_1073, %mul3A_1317 : i32
      %add3A_1319 = arith.constant 11 : i32
      %add3A_1320 = arith.addi %mul3A_1318, %add3A_1319 : i32
      %mul3A_1321 = arith.constant 128 : i32
      %mul3A_1322 = arith.muli %add3A_1320, %mul3A_1321 : i32
      %get3A_1323 = arith.index_cast %mul3A_1322 : i32 to index
      %get3A_1324 = arith.constant 0 : index
      %get3A_1325 = vector.load %arg1[%get3A_1323, %get3A_1324] : memref<81920x32xbf16, #tpu.memory_space<vmem>>, vector<128x32xbf16>
      %dot_general3A_1326 = arith.constant dense<0.000000e+00> : vector<1024x32xf32>
      %dot_general3A_1327 = tpu.matmul %reshape3A_1316, %get3A_1325, %dot_general3A_1326 {dimension_numbers = #tpu.dot_dimension_numbers<[1], [0], [0], [1], [0, 0, 1, 1], [], []>, transpose_lhs_hint = false} : vector<1024x128xbf16>, vector<128x32xbf16>, vector<1024x32xf32> -> vector<1024x32xf32>
      %add3A_1328 = arith.addf %add3A_1308, %dot_general3A_1327 : vector<1024x32xf32>
      %get3A_1329 = arith.constant 3 : index
      %get3A_1330 = arith.constant 0 : index
      %get3A_1331 = arith.constant 12 : index
      %get3A_1332 = arith.constant 0 : index
      %get3A_1333 = arith.constant 0 : index
      %get3A_1334 = vector.load %arg4[%get3A_1329, %get3A_1330, %get3A_1331, %get3A_1332, %get3A_1333] : memref<4x64x16x16x128xbf16, #tpu.memory_space<vmem>>, vector<1x64x1x16x128xbf16>
      %get3A_1335 = vector.shape_cast %get3A_1334 : vector<1x64x1x16x128xbf16> to vector<64x16x128xbf16>
      %reshape3A_1336 = vector.shape_cast %get3A_1335 : vector<64x16x128xbf16> to vector<1024x128xbf16>
      %mul3A_1337 = arith.constant 16 : i32
      %mul3A_1338 = arith.muli %add3A_1073, %mul3A_1337 : i32
      %add3A_1339 = arith.constant 12 : i32
      %add3A_1340 = arith.addi %mul3A_1338, %add3A_1339 : i32
      %mul3A_1341 = arith.constant 128 : i32
      %mul3A_1342 = arith.muli %add3A_1340, %mul3A_1341 : i32
      %get3A_1343 = arith.index_cast %mul3A_1342 : i32 to index
      %get3A_1344 = arith.constant 0 : index
      %get3A_1345 = vector.load %arg1[%get3A_1343, %get3A_1344] : memref<81920x32xbf16, #tpu.memory_space<vmem>>, vector<128x32xbf16>
      %dot_general3A_1346 = arith.constant dense<0.000000e+00> : vector<1024x32xf32>
      %dot_general3A_1347 = tpu.matmul %reshape3A_1336, %get3A_1345, %dot_general3A_1346 {dimension_numbers = #tpu.dot_dimension_numbers<[1], [0], [0], [1], [0, 0, 1, 1], [], []>, transpose_lhs_hint = false} : vector<1024x128xbf16>, vector<128x32xbf16>, vector<1024x32xf32> -> vector<1024x32xf32>
      %add3A_1348 = arith.addf %add3A_1328, %dot_general3A_1347 : vector<1024x32xf32>
      %get3A_1349 = arith.constant 3 : index
      %get3A_1350 = arith.constant 0 : index
      %get3A_1351 = arith.constant 13 : index
      %get3A_1352 = arith.constant 0 : index
      %get3A_1353 = arith.constant 0 : index
      %get3A_1354 = vector.load %arg4[%get3A_1349, %get3A_1350, %get3A_1351, %get3A_1352, %get3A_1353] : memref<4x64x16x16x128xbf16, #tpu.memory_space<vmem>>, vector<1x64x1x16x128xbf16>
      %get3A_1355 = vector.shape_cast %get3A_1354 : vector<1x64x1x16x128xbf16> to vector<64x16x128xbf16>
      %reshape3A_1356 = vector.shape_cast %get3A_1355 : vector<64x16x128xbf16> to vector<1024x128xbf16>
      %mul3A_1357 = arith.constant 16 : i32
      %mul3A_1358 = arith.muli %add3A_1073, %mul3A_1357 : i32
      %add3A_1359 = arith.constant 13 : i32
      %add3A_1360 = arith.addi %mul3A_1358, %add3A_1359 : i32
      %mul3A_1361 = arith.constant 128 : i32
      %mul3A_1362 = arith.muli %add3A_1360, %mul3A_1361 : i32
      %get3A_1363 = arith.index_cast %mul3A_1362 : i32 to index
      %get3A_1364 = arith.constant 0 : index
      %get3A_1365 = vector.load %arg1[%get3A_1363, %get3A_1364] : memref<81920x32xbf16, #tpu.memory_space<vmem>>, vector<128x32xbf16>
      %dot_general3A_1366 = arith.constant dense<0.000000e+00> : vector<1024x32xf32>
      %dot_general3A_1367 = tpu.matmul %reshape3A_1356, %get3A_1365, %dot_general3A_1366 {dimension_numbers = #tpu.dot_dimension_numbers<[1], [0], [0], [1], [0, 0, 1, 1], [], []>, transpose_lhs_hint = false} : vector<1024x128xbf16>, vector<128x32xbf16>, vector<1024x32xf32> -> vector<1024x32xf32>
      %add3A_1368 = arith.addf %add3A_1348, %dot_general3A_1367 : vector<1024x32xf32>
      %get3A_1369 = arith.constant 3 : index
      %get3A_1370 = arith.constant 0 : index
      %get3A_1371 = arith.constant 14 : index
      %get3A_1372 = arith.constant 0 : index
      %get3A_1373 = arith.constant 0 : index
      %get3A_1374 = vector.load %arg4[%get3A_1369, %get3A_1370, %get3A_1371, %get3A_1372, %get3A_1373] : memref<4x64x16x16x128xbf16, #tpu.memory_space<vmem>>, vector<1x64x1x16x128xbf16>
      %get3A_1375 = vector.shape_cast %get3A_1374 : vector<1x64x1x16x128xbf16> to vector<64x16x128xbf16>
      %reshape3A_1376 = vector.shape_cast %get3A_1375 : vector<64x16x128xbf16> to vector<1024x128xbf16>
      %mul3A_1377 = arith.constant 16 : i32
      %mul3A_1378 = arith.muli %add3A_1073, %mul3A_1377 : i32
      %add3A_1379 = arith.constant 14 : i32
      %add3A_1380 = arith.addi %mul3A_1378, %add3A_1379 : i32
      %mul3A_1381 = arith.constant 128 : i32
      %mul3A_1382 = arith.muli %add3A_1380, %mul3A_1381 : i32
      %get3A_1383 = arith.index_cast %mul3A_1382 : i32 to index
      %get3A_1384 = arith.constant 0 : index
      %get3A_1385 = vector.load %arg1[%get3A_1383, %get3A_1384] : memref<81920x32xbf16, #tpu.memory_space<vmem>>, vector<128x32xbf16>
      %dot_general3A_1386 = arith.constant dense<0.000000e+00> : vector<1024x32xf32>
      %dot_general3A_1387 = tpu.matmul %reshape3A_1376, %get3A_1385, %dot_general3A_1386 {dimension_numbers = #tpu.dot_dimension_numbers<[1], [0], [0], [1], [0, 0, 1, 1], [], []>, transpose_lhs_hint = false} : vector<1024x128xbf16>, vector<128x32xbf16>, vector<1024x32xf32> -> vector<1024x32xf32>
      %add3A_1388 = arith.addf %add3A_1368, %dot_general3A_1387 : vector<1024x32xf32>
      %get3A_1389 = arith.constant 3 : index
      %get3A_1390 = arith.constant 0 : index
      %get3A_1391 = arith.constant 15 : index
      %get3A_1392 = arith.constant 0 : index
      %get3A_1393 = arith.constant 0 : index
      %get3A_1394 = vector.load %arg4[%get3A_1389, %get3A_1390, %get3A_1391, %get3A_1392, %get3A_1393] : memref<4x64x16x16x128xbf16, #tpu.memory_space<vmem>>, vector<1x64x1x16x128xbf16>
      %get3A_1395 = vector.shape_cast %get3A_1394 : vector<1x64x1x16x128xbf16> to vector<64x16x128xbf16>
      %reshape3A_1396 = vector.shape_cast %get3A_1395 : vector<64x16x128xbf16> to vector<1024x128xbf16>
      %mul3A_1397 = arith.constant 16 : i32
      %mul3A_1398 = arith.muli %add3A_1073, %mul3A_1397 : i32
      %add3A_1399 = arith.constant 15 : i32
      %add3A_1400 = arith.addi %mul3A_1398, %add3A_1399 : i32
      %mul3A_1401 = arith.constant 128 : i32
      %mul3A_1402 = arith.muli %add3A_1400, %mul3A_1401 : i32
      %get3A_1403 = arith.index_cast %mul3A_1402 : i32 to index
      %get3A_1404 = arith.constant 0 : index
      %get3A_1405 = vector.load %arg1[%get3A_1403, %get3A_1404] : memref<81920x32xbf16, #tpu.memory_space<vmem>>, vector<128x32xbf16>
      %dot_general3A_1406 = arith.constant dense<0.000000e+00> : vector<1024x32xf32>
      %dot_general3A_1407 = tpu.matmul %reshape3A_1396, %get3A_1405, %dot_general3A_1406 {dimension_numbers = #tpu.dot_dimension_numbers<[1], [0], [0], [1], [0, 0, 1, 1], [], []>, transpose_lhs_hint = false} : vector<1024x128xbf16>, vector<128x32xbf16>, vector<1024x32xf32> -> vector<1024x32xf32>
      %add3A_1408 = arith.addf %add3A_1388, %dot_general3A_1407 : vector<1024x32xf32>
      %add3A_1409 = arith.constant 4 : i32
      %add3A_1410 = arith.addi %add3A_1073, %add3A_1409 : i32
      %lt3A_1411 = arith.constant 40 : i32
      %lt3A_1412 = arith.cmpi slt, %add3A_1410, %lt3A_1411 : i32
      %convert_element_type3A_1413 = arith.extui %lt3A_1412 : i1 to i32
      %cond3A_1414 = arith.constant 0 : i32
      %cond3A_1415 = arith.cmpi ne, %convert_element_type3A_1413, %cond3A_1414 : i32
      scf.if %cond3A_1415 {
        %mul3A_1416 = arith.constant 16 : i32
        %mul3A_1417 = arith.muli %add3A_1410, %mul3A_1416 : i32
        %dma_start3A = arith.constant 3 : i32
        %dma_start3A_1418 = arith.constant 3 : i32
        %dma_start3A_1419 = tpu.memref_slice %arg5[%dma_start3A_1418] : memref<4x!tpu.dma_semaphore, #tpu.memory_space<semaphore_mem>> -> memref<1x!tpu.dma_semaphore, #tpu.memory_space<semaphore_mem>>
        %dma_start3A_1420 = tpu.memref_squeeze %dma_start3A_1419 : memref<1x!tpu.dma_semaphore, #tpu.memory_space<semaphore_mem>> -> memref<!tpu.dma_semaphore, #tpu.memory_space<semaphore_mem>>
        %dma_start3A_1421 = arith.constant 0 : i32
        %dma_start3A_1422 = arith.constant 0 : i32
        %dma_start3A_1423 = arith.constant 0 : i32
        %dma_start3A_1424 = arith.constant 0 : i32
        %dma_start3A_1425 = tpu.memref_slice %arg4[%dma_start3A, %dma_start3A_1421, %dma_start3A_1422, %dma_start3A_1423, %dma_start3A_1424] : memref<4x64x16x16x128xbf16, #tpu.memory_space<vmem>> -> memref<1x64x16x16x128xbf16, #tpu.memory_space<vmem>>
        %dma_start3A_1426 = tpu.memref_squeeze %dma_start3A_1425 : memref<1x64x16x16x128xbf16, #tpu.memory_space<vmem>> -> memref<64x16x16x128xbf16, #tpu.memory_space<vmem>>
        %dma_start3A_1427 = arith.constant 0 : i32
        %dma_start3A_1428 = arith.constant 0 : i32
        %dma_start3A_1429 = arith.constant 0 : i32
        %dma_start3A_1430 = tpu.memref_slice %arg0[%dma_start3A_1427, %mul3A_1417, %dma_start3A_1428, %dma_start3A_1429] : memref<64x640x16x128xbf16, #tpu.memory_space<hbm>> -> memref<64x16x16x128xbf16, #tpu.memory_space<hbm>>
        tpu.enqueue_dma source(%dma_start3A_1430 : memref<64x16x16x128xbf16, #tpu.memory_space<hbm>>) target(%dma_start3A_1426 : memref<64x16x16x128xbf16, #tpu.memory_space<vmem>>) target_semaphore(%dma_start3A_1420 : memref<!tpu.dma_semaphore, #tpu.memory_space<semaphore_mem>>)
      } else {
      }
      scf.yield %add3A_1408 : vector<1024x32xf32>
    }
    %scan3A_32 = arith.constant 10 : i32
    %swap3A = arith.constant 0 : index
    %swap3A_33 = arith.constant 0 : index
    %swap3A_34 = vector.load %arg3[%swap3A, %swap3A_33] : memref<1024x32xf32, #tpu.memory_space<vmem>>, vector<1024x32xf32>
    tpu.vector_store %arg3[%swap3A, %swap3A_33], %scan3A_31 {strides = array<i32>} : memref<1024x32xf32, #tpu.memory_space<vmem>>, vector<1024x32xf32>,
    return
  }
}

</mosaic_0001>

<sc_bundles>
// kernel: sparse-core-data-format-call.1.cloned.1.call-start
scs
called_computation.1_lowered:
.L_overlay_start_0:
0x0: {  	s1 =	sld [smem:$0x3FD9]  }
0x1: {  	s2 =	sld [smem:$0x3FFE];
	_ =	sdelay $0x1  }
0x2: {  	s3 =	srdreg.scid  }
0x3: {  	s0 =	sand.u32 $0x1, s3  }
0x4: {  	s17 =	sshll.u32 s0, $0xA;
	s1 =	sadd.s32 s2, s1  }
0x5: {  	s1 =	sadd.s32 s1, s17  }
0x6: {  	[smem:$0x3FC5] =	sst s1  }
0x7: {  	_ = 	snop  }
0x8: {  	(tm) =	ssettm $0x1  }
0x9: {  	s18 =	sld [smem:$0x3FFB];
	_ =	sdelay $0x3  }
0xa: {  	_ =	strace s18  }
0xb: {  	s1 =	sld [smem:$0x3FFC];
	_ =	sdelay $0x3  }
0xc: {  	_ =	strace s1  }
0xd: {  	s1 =	sld [smem:$0x3FFD];
	_ =	sdelay $0x3  }
0xe: {  	_ =	strace s1  }
0xf: {  	_ =	strace $0x8FFFFFFF  }
0x10: {  	s19 =	sld [smem:$0x3FDB];
	_ =	sdelay $0x1  }
0x11: {  	s20 =	simm.s32 $_scs_section_size  }
0x12: {  	s4 =	simm.s32 $_size__tile_overlayer_lowered;
	s5 =	simm.s32 $_tile_overlayer_lowered  }
0x13: {  	s23 =	simm.s32 $0x1BFF;
	s22 =	sshll.u32 s5, $0x1;
	s1 =	sadd.s32 s20, s19  }
0x14: {  	s6 =	simm.s32 $0x0;
	s21 =	sshll.u32 s4, $0x1;
	s4 =	sadd.s32 s22, s1  }
0x15: {  	[timem:s6], [sflag:s23] =	dma.local [hbm:s4], s21  }
0x16: {  	_ =	swait.ge [sflag:s23], s21  }
0x17: {  	s2 =	ssub.s32 $0x0, s21;
	[sflag:s23] =	ssyncset.done $0x0  }
0x18: {  	[sflag:s23] =	ssyncadd.s32 s2;
	_ =	sdelay $0x1  }
0x19: {  	s24 =	simm.s32 $0x1B8B  }
0x1a: {  	_ =	swait.ge [sflag:s24], $0x1  }
0x1b: {  	[sflag:s24] =	ssyncset.done $0x0  }
0x1c: {  	s26 =	simm.s32 $0x1B8E;
	s25 =	sld [smem:$0x3FFE];
	[sflag:s24] =	ssyncadd.s32 $0xFFFFFFFF  }
0x1d: {  	s27 =	simm.s32 $execute0_lowered;
	[smem:$0x3FD2] =	sst s26  }
0x1e: {  	s4 =	sshll.u32 s27, $0x1;
	_ =	strace $0x80000049;
	[dreg:$0x1] =	wrdreg $0xFFFFFFFF  }
0x1f: {  	s28 =	simm.s32 $_size_execute0_lowered;
	s1 =	sadd.s32 s1, s4;
	[dreg:$0x0] =	wrdreg $0x0  }
0x20: {  	s4 =	sshll.u32 s28, $0x1;
	[dreg:$0x2] =	wrdreg s1  }
0x21: {  	[dreg:$0x3] =	wrdreg s4  }
0x22: {  	[dreg:$0x4] =	wrdreg $0xC0  }
0x23: {  	_ =	task [dreg:s6], $0x5FFFF  }
0x24: {  	[dreg:$0x1] =	wrdreg $0xFFFFFFFF  }
0x25: {  	[dreg:$0x0] =	wrdreg $0x60  }
0x26: {  	[dreg:$0x2] =	wrdreg s25  }
0x27: {  	[dreg:$0x3] =	wrdreg $0x9  }
0x28: {  	_ =	task.clear_ibuf [dreg:s6], $0x4FFFF;
	_ =	strace $0x90000049  }
0x29: {  	s29 =	simm.s32 $0x9;
	_ =	strace $0x8000004B  }
0x2a: {  	_ =	swait.ge [sflag:s29], $0x1  }
0x2b: {  	[sflag:s29] =	ssyncadd.s32 $0xFFFFFFFF  }
0x2c: {  	_ =	strace $0x9000004B  }
0x2d: {  	_ =	sfence  }
0x2e: {  	s30 =	sld [smem:$0x0];
	_ =	sdelay $0x2  }
0x2f: {  	s31 =	sshll.u32 s3, $0xD;
	s3 =	sshrl.u32 s3, $0x2  }
0x30: {  	s2 =	sand.u32 $0x4000, s31;
	s1 =	sadd.s32 s3, s30  }
0x31: {  	s0 =	sor.u32 s2, s0;
	s1 =	sshll.u32 s1, $0x11  }
0x32: {  	s0 =	sor.u32 s1, s0  }
0x33: {  	s0 =	sadd.s32 $0x8F2B, s0  }
0x34: {  	[sflag:s0] =	ssyncadd.remote.s32 $0x1  }
0x35: {  	_ =	sfence.sel $0xFFFF  }
0x36: {  	[dreg:$0x0] =	wrdreg $0xFFFFFFFF;
	(pc) =	sbr.abs _section_cstart, $3  }
0x37: {  	[dreg:$0x1] =	wrdreg $0xFFFFFFFF  }
0x38: {  	_ =	task.clear_ibuf [dreg:s6], $0x2FFFF;
	_ =	strace $0x9FFFFFFF  }
0x39: {  	(tm) =	ssettm $0x7FFFFFFF  }
tec
execute0_lowered:
.L_overlay_start_1:
0x0: {  	(tag) =	ssettag $0x1  }
0x1: {  	s1 =	rddreg [dreg:$0x0]  }
0x2: {  	s0 =	rddreg [dreg:$0x1]  }
0x3: {  	_ =	strace $0x8000004A;
	s4 =	srdreg.scid;
	s6 =	simm.s32 $0x2  }
0x4: {  	s11 =	simm.s32 $0x0;
	p0 =	por $0x0, $0x0;
	s7 =	simm.s32 $0xA000  }
.Ltmp0:
0x5: {  	s12 =	simm.s32 $0x0;
	s9 =	simm.s32 $0x0;
	(pc) =	sbr.rel .LBB1_1-.Ltmp0, $4  }
0x6: {  	s2 =	sadd.s32 $0x9F8400, s1;
	s3 =	sadd.s32 $0x1000, s1;
	s5 =	sshll.u32 s4, $0x4  }
0x7: {  	s1 =	stileid.u32;
	s4 =	simm.s32 $0x1;
	s5 =	sand.u32 $0x10, s5  }
0x8: {  	s8 =	simm.s32 $0x0;
	[sflag:s4] =	ssyncpa.u1 $0x0;
	s5 =	sor.u32 s1, s5  }
0x9: {  	[sflag:s6] =	ssyncpa.u1 $0x0;
	s6 =	simm.s32 $0x800;
	s10 =	smov.u32 s5  }
.LBB1_7:
0xa: {  	s13 =	sadd.s32 $0x20, s9  }
0xb: {  	s11 =	sadd.s32 $0x20, s10;
	s15 =	smov.u32 s10;
	p2 =	sgt.s32 s13, $0x27F  }
0xc: {  	p1 =	slt.u32 s8, $0x2;
	s15 =	smov.u32 @p2 s11  }
0xd: {  	s8 =	sadd.s32 $0x1, s8;
	s13 =	simm.s32 @p2 $0x0;
	p2 =	sgt.s32 s15, $0x7F  }
0xe: {  	s15 =	smov.u32 @p2 s5;
	p2 =	sne.s32 s8, $0x52  }
.Ltmp1:
0xf: {  	_ = 	snop;
	(pc) =	sbr.rel @!p2 .LBB1_8-.Ltmp1, $4  }
0x10: {  	s14 =	simm.s32 @!p1 $0x2  }
0x11: {  	s12 =	smov.u32 s10;
	_ =	swait.ge @!p1 [sflag:s14], $0x4000  }
0x12: {  	p0 =	por !p0, !p0;
	s11 =	smov.u32 s9;
	[sflag:s14] =	ssyncset.done @!p1 $0x0  }
0x13: {  	s9 =	smov.u32 s13;
	[sflag:s14] =	ssyncadd.s32 @!p1 $0xFFFFC000;
	s10 =	smov.u32 s15  }
.LBB1_1:
0x14: {  	p1 =	sgt.u32 s8, $0x4F  }
0x15: {  	s13 =	smul.u32 @!p1 $0xA000, s10  }
0x16: {  	s14 =	sxor.u32 @!p1 $0xFFFFFFFF, s8  }
0x17: {  	s15 =	sshll.u32 @!p1 s9, $0x6;
	s14 =	sshll.u32 @!p1 s14, $0xE;
	s13 =	sadd.s32 @!p1 s2, s13  }
0x18: {  	s14 =	sand.u32 @!p1 $0x4000, s14;
	s13 =	sadd.s32 @!p1 s15, s13;
	s15 =	simm.s32 @!p1 $0x0  }
0x19: {  	[tilespmem:s14], [sflag:$0x1] =	stream.linear.gather @!p1 [hbm4b:s13+s15], $0x4000, $0x38;
	[tilespmem:$0x10000] =	vst v63  }
0x1a: {  	p1 =	seq.s32 s8, $0x0  }
0x1b: {  	p2 =	seq.s32 @!p1 s8, $0x51  }
0x1c: {  	p1 =	por p1, p2  }
.Ltmp2:
0x1d: {  	_ = 	snop;
	(pc) =	sbr.rel @p1 .LBB1_7-.Ltmp2, $1  }
0x1e: {  	_ =	sdelay $0x3  }
0x1f: {  	s13 =	simm.s32 $0x1;
	_ =	swait.ge [sflag:s4], $0x4000;
	s16 =	sshll.u32 s8, $0xE  }
0x20: {  	s13 =	simm.s32 @!p0 $0x0;
	[sflag:s4] =	ssyncset.done $0x0;
	s31 =	sand.u32 $0x4000, s16  }
0x21: {  	s16 =	simm.s32 $0x0;
	s13 =	sshll.u32 s13, $0xE;
	[sflag:s4] =	ssyncadd.s32 $0xFFFFC000  }
0x22: {  	s14 =	sor.u32 $0x200, s13;
	s15 =	sor.u32 $0x8800, s13;
	s13 =	sor.u32 $0x8000, s31  }
.LBB1_3:
0x23: {  	v0 =	vld [tilespmem:s14+$0xFFFFFE70]  }
0x24: {  	v1 =	vld [tilespmem:s14+$0x70]  }
0x25: {  	v2 =	vld [tilespmem:s14+$0x0]  }
0x26: {  	v3 =	vld [tilespmem:s14+$0xFFFFFE10]  }
0x27: {  	v4 =	vld [tilespmem:s14+$0x10]  }
0x28: {  	v5 =	vld [tilespmem:s14+$0xFFFFFE20]  }
0x29: {  	v7 =	vld [tilespmem:s14+$0x20]  }
0x2a: {  	v11 =	vld [tilespmem:s14+$0x30];
	v6 =	vunpack.i.l.s16.s32 v0;
	v8 =	vunpack.i.u.s16.s32 v0;
	v9 =	vunpack.i.u.s16.s32 v1  }
0x2b: {  	v10 =	vunpack.i.l.s16.s32 v1;
	v0 =	vunpack.i.u.s16.s32 v2;
	v1 =	vunpack.i.l.s16.s32 v2;
	v2 =	vld [tilespmem:s14+$0xFFFFFE30]  }
0x2c: {  	v8 =	vpack.i.b32.b16 v9, v8;
	v9 =	vunpack.i.u.s16.s32 v3;
	v3 =	vunpack.i.l.s16.s32 v3  }
0x2d: {  	v12 =	vld [tilespmem:s14+$0xFFFFFE40];
	v6 =	vpack.i.b32.b16 v10, v6;
	[tilespmem:s15+$0x70] =	vst v8;
	v8 =	vunpack.i.u.s16.s32 v4;
	v4 =	vunpack.i.l.s16.s32 v4  }
0x2e: {  	v13 =	vld [tilespmem:s14+$0x40];
	v10 =	vunpack.i.u.s16.s32 v5;
	v5 =	vunpack.i.l.s16.s32 v5;
	[tilespmem:s15+$0xFFFFF870] =	vst v6;
	v3 =	vpack.i.b32.b16 v4, v3  }
0x2f: {  	v6 =	vunpack.i.l.s16.s32 v7;
	v4 =	vld [tilespmem:s14+$0xFFFFFE50];
	[tilespmem:s15+$0xFFFFF810] =	vst v3;
	v3 =	vpack.i.b32.b16 v8, v9;
	v8 =	vunpack.i.u.s16.s32 v7  }
0x30: {  	v7 =	vunpack.i.l.s16.s32 v11;
	[tilespmem:s15+$0x10] =	vst v3;
	v3 =	vpack.i.b32.b16 v6, v5;
	v9 =	vunpack.i.u.s16.s32 v2;
	v6 =	vld [tilespmem:s14+$0x50]  }
0x31: {  	v5 =	vunpack.i.l.s16.s32 v2;
	v2 =	vld [tilespmem:s14+$0xFFFFFE60];
	[tilespmem:s15+$0xFFFFF820] =	vst v3;
	v3 =	vpack.i.b32.b16 v8, v10;
	v10 =	vunpack.i.u.s16.s32 v11  }
0x32: {  	s19 =	simm.s32 $0x0;
	v11 =	vpack.i.b32.b16 v7, v5;
	v7 =	vunpack.i.u.s16.s32 v12;
	v8 =	vunpack.i.l.s16.s32 v12;
	[tilespmem:s15+$0x20] =	vst v3;
	v3 =	vld [tilespmem:s14+$0x60]  }
0x33: {  	s20 =	sadd.s32 $0x80, s14;
	s18 =	smov.u32 s15;
	s17 =	smov.u32 s15;
	v5 =	vld [tilespmem:s14+$0xFFFFFE00];
	[tilespmem:s15+$0xFFFFF830] =	vst v11;
	v10 =	vpack.i.b32.b16 v10, v9;
	v9 =	vunpack.i.u.s16.s32 v13;
	v11 =	vunpack.i.l.s16.s32 v13  }
.LBB1_4:
0x34: {  	v12 =	vld [tilespmem:s20+$0xFFFFFE70];
	[tilespmem:s18+$0x30] =	vst v10;
	v8 =	vpack.i.b32.b16 v11, v8;
	v10 =	vunpack.i.u.s16.s32 v4;
	v4 =	vunpack.i.l.s16.s32 v4  }
0x35: {  	s19 =	sadd.s32 $0x2, s19;
	v7 =	vpack.i.b32.b16 v9, v7;
	v11 =	vld [tilespmem:s20+$0x70];
	[tilespmem:s18+$0xFFFFF840] =	vst v8;
	v8 =	vunpack.i.u.s16.s32 v6;
	v6 =	vunpack.i.l.s16.s32 v6  }
0x36: {  	p1 =	slt.u32 s19, $0x6;
	v9 =	vld [tilespmem:s20+$0x0];
	[tilespmem:s18+$0x40] =	vst v7;
	v4 =	vpack.i.b32.b16 v6, v4;
	v6 =	vunpack.i.u.s16.s32 v2;
	v2 =	vunpack.i.l.s16.s32 v2  }
0x37: {  	v7 =	vld [tilespmem:s20+$0xFFFFFE10];
	[tilespmem:s18+$0xFFFFF850] =	vst v4;
	v4 =	vpack.i.b32.b16 v8, v10;
	v8 =	vunpack.i.u.s16.s32 v3;
	v3 =	vunpack.i.l.s16.s32 v3  }
0x38: {  	v10 =	vld [tilespmem:s20+$0x10];
	v13 =	vunpack.i.u.s16.s32 v5;
	v5 =	vunpack.i.l.s16.s32 v5;
	[tilespmem:s18+$0x50] =	vst v4;
	v2 =	vpack.i.b32.b16 v3, v2  }
0x39: {  	v3 =	vld [tilespmem:s20+$0xFFFFFE20];
	v4 =	vunpack.i.l.s16.s32 v12;
	v1 =	vpack.i.b32.b16 v1, v5;
	v5 =	vpack.i.b32.b16 v0, v13;
	[tilespmem:s18+$0xFFFFF860] =	vst v2  }
0x3a: {  	v12 =	vunpack.i.u.s16.s32 v12;
	v2 =	vld [tilespmem:s20+$0x20];
	v13 =	vunpack.i.u.s16.s32 v11;
	v11 =	vunpack.i.l.s16.s32 v11;
	[tilespmem:s18+$0xFFFFF800] =	vst v1  }
0x3b: {  	s18 =	sadd.s32 $0x1000, s18;
	v0 =	vunpack.i.u.s16.s32 v9;
	v1 =	vunpack.i.l.s16.s32 v9;
	v9 =	vld [tilespmem:s20+$0xFFFFFE30];
	v12 =	vpack.i.b32.b16 v13, v12;
	[tilespmem:s17+$0x0] =	vst v5  }
0x3c: {  	v6 =	vpack.i.b32.b16 v8, v6;
	v5 =	vunpack.i.u.s16.s32 v7;
	v7 =	vunpack.i.l.s16.s32 v7;
	v13 =	vld [tilespmem:s20+$0x30];
	[tilespmem:s18+$0x70] =	vst v12  }
0x3d: {  	v4 =	vpack.i.b32.b16 v11, v4;
	v8 =	vunpack.i.u.s16.s32 v10;
	v10 =	vunpack.i.l.s16.s32 v10;
	v12 =	vld [tilespmem:s20+$0xFFFFFE40];
	[tilespmem:s17+$0x60] =	vst v6;
	s17 =	smov.u32 s18  }
0x3e: {  	v6 =	vpack.i.b32.b16 v10, v7;
	v7 =	vunpack.i.u.s16.s32 v3;
	v3 =	vunpack.i.l.s16.s32 v3;
	v11 =	vld [tilespmem:s20+$0x40];
	[tilespmem:s18+$0xFFFFF870] =	vst v4  }
.Ltmp3:
0x3f: {  	v5 =	vpack.i.b32.b16 v8, v5;
	[tilespmem:s18+$0xFFFFF810] =	vst v6;
	v8 =	vunpack.i.u.s16.s32 v2;
	v2 =	vunpack.i.l.s16.s32 v2;
	v4 =	vld [tilespmem:s20+$0xFFFFFE50];
	(pc) =	sbr.rel @p1 .LBB1_4-.Ltmp3, $4  }
0x40: {  	[tilespmem:s18+$0x10] =	vst v5;
	v2 =	vpack.i.b32.b16 v2, v3;
	v10 =	vunpack.i.u.s16.s32 v9;
	v3 =	vunpack.i.l.s16.s32 v9;
	v6 =	vld [tilespmem:s20+$0x50]  }
0x41: {  	v5 =	vpack.i.b32.b16 v8, v7;
	[tilespmem:s18+$0xFFFFF820] =	vst v2;
	v9 =	vunpack.i.u.s16.s32 v13;
	v7 =	vunpack.i.l.s16.s32 v13;
	v2 =	vld [tilespmem:s20+$0xFFFFFE60]  }
0x42: {  	[tilespmem:s18+$0x20] =	vst v5;
	v13 =	vpack.i.b32.b16 v7, v3;
	v7 =	vunpack.i.u.s16.s32 v12;
	v8 =	vunpack.i.l.s16.s32 v12;
	v3 =	vld [tilespmem:s20+$0x60]  }
0x43: {  	v10 =	vpack.i.b32.b16 v9, v10;
	v5 =	vld [tilespmem:s20+$0xFFFFFE00];
	[tilespmem:s18+$0xFFFFF830] =	vst v13;
	v9 =	vunpack.i.u.s16.s32 v11;
	v11 =	vunpack.i.l.s16.s32 v11;
	s20 =	sadd.s32 $0x80, s20  }
0x44: {  	[tilespmem:s18+$0x30] =	vst v10;
	v8 =	vpack.i.b32.b16 v11, v8  }
0x45: {  	v51 =	vunpack.i.l.s16.s32 v4;
	v7 =	vpack.i.b32.b16 v9, v7;
	[tilespmem:s18+$0xFFFFF840] =	vst v8;
	v52 =	vunpack.i.l.s16.s32 v6  }
0x46: {  	v53 =	vunpack.i.u.s16.s32 v4;
	v54 =	vunpack.i.u.s16.s32 v6;
	[tilespmem:s18+$0x40] =	vst v7;
	v55 =	vpack.i.b32.b16 v52, v51  }
0x47: {  	p1 =	slt.u32 s16, $0x1E;
	v56 =	vunpack.i.l.s16.s32 v2;
	v4 =	vpack.i.b32.b16 v54, v53;
	[tilespmem:s18+$0xFFFFF850] =	vst v55;
	v57 =	vunpack.i.l.s16.s32 v3  }
.Ltmp4:
0x48: {  	[tilespmem:s18+$0x50] =	vst v4;
	v58 =	vunpack.i.l.s16.s32 v5;
	v59 =	vpack.i.b32.b16 v57, v56;
	(pc) =	sbr.rel @p1 .LBB1_3-.Ltmp4, $4  }
0x49: {  	v61 =	vunpack.i.u.s16.s32 v2;
	v62 =	vunpack.i.u.s16.s32 v3;
	v1 =	vpack.i.b32.b16 v1, v58;
	[tilespmem:s18+$0xFFFFF860] =	vst v59  }
0x4a: {  	v60 =	vunpack.i.u.s16.s32 v5;
	v63 =	vpack.i.b32.b16 v62, v61;
	[tilespmem:s18+$0xFFFFF800] =	vst v1  }
0x4b: {  	s31 =	sadd.s32 $0x2, s16;
	v0 =	vpack.i.b32.b16 v0, v60;
	[tilespmem:s17+$0x60] =	vst v63  }
0x4c: {  	s14 =	sadd.s32 $0x400, s14;
	s15 =	sadd.s32 $0x80, s15;
	s16 =	smov.u32 s31;
	[tilespmem:s17+$0x0] =	vst v0  }
0x4d: {  	s11 =	sand.u32 $0x1FFFFFE, s11  }
0x4e: {  	s14 =	smulhi.u32 $0xCCCCCD, s11;
	_ =	sdelay $0x1  }
0x4f: {  	s12 =	smul.u32 $0xA000, s12;
	s14 =	sshrl.u32 s14, $0x1  }
0x50: {  	s14 =	smul.u32 $0x280, s14  }
.Ltmp5:
0x51: {  	_ = 	snop;
	(pc) =	sbr.rel .LBB1_7-.Ltmp5, $4  }
0x52: {  	s11 =	ssub.s32 s11, s14  }
0x53: {  	s12 =	sadd.s32 s3, s12;
	s11 =	sshll.u32 s11, $0x3  }
0x54: {  	s11 =	sadd.s32 s11, s12  }
0x55: {  	[hbm4b:s11+s6] =	stream.strided.scatter [tilespmem:s13], [sflag:$0x2], $0x4000, s7, s6, $0x38;
	[tilespmem:$0x10000] =	vst v63  }
.LBB1_8:
0x56: {  	_ =	sfence.sel $0x180000  }
0x57: {  	s2 =	simm.s32 $0x1;
	[bflag:$0x0] =	sbarrier.arrive $0xFFFF  }
0x58: {  	s31 =	simm.s32 $0x2;
	[sflag:s2] =	ssyncpa.u1 $0x1  }
0x59: {  	[sflag:s31] =	ssyncpa.u1 $0x1  }
0x5a: {  	p0 =	sne.s32 s1, $0x0;
	_ =	strace $0x9000004A  }
0x5b: {  	s0 =	sadd.s32 @!p0 $0x100000, s0;
	[bflag:$0x2] =	sbarrier.arrive $0xFFFF  }
0x5c: {  	[sflag:s0] =	ssyncadd.tile.s32 @!p0 $0x1;
	_ =	shalt  }
.Lfunc_end1:
_tile_overlayer_lowered:
.L_overlay_start_2:
0x5d: {  	(tag) =	ssettag $0x2  }
0x5e: {  	s0 =	rddreg [dreg:$0x0];
	s2 =	stileid.u32  }
0x5f: {  	s1 =	rddreg [dreg:$0x1];
	p0 =	sne.s32 s2, $0x0  }
0x60: {  	s3 =	rddreg [dreg:$0x2];
	[bflag:$0x3] =	sbarrier.arrive $0xFFFF;
	s2 =	simm.s32 @!p0 $0x1C01  }
0x61: {  	[timem:s3], [sflag:s2] =	dma.local @!p0 [hbm:s0], s1  }
0x62: {  	s0 =	simm.s32 @!p0 $0x1  }
0x63: {  	_ =	swait.ge @!p0 [sflag:s0], s1  }
0x64: {  	s1 =	ssub.s32 @!p0 $0x0, s1;
	[sflag:s0] =	ssyncset.done @!p0 $0x0  }
0x65: {  	[sflag:s0] =	ssyncadd.s32 @!p0 s1  }
0x66: {  	[bflag:$0x3] =	sbarrier.arrive $0xFFFF  }
0x67: {  	_ =	shalt  }

// kernel: sparse-core-data-format-call.2.cloned.1.call-start
scs
called_computation.2_lowered:
.L_overlay_start_0:
0x0: {  	s1 =	sld [smem:$0x3FD9]  }
0x1: {  	s2 =	sld [smem:$0x3FFE];
	_ =	sdelay $0x1  }
0x2: {  	s3 =	srdreg.scid  }
0x3: {  	s0 =	sand.u32 $0x1, s3  }
0x4: {  	s17 =	sshll.u32 s0, $0xA;
	s1 =	sadd.s32 s2, s1  }
0x5: {  	s1 =	sadd.s32 s1, s17  }
0x6: {  	[smem:$0x3FC5] =	sst s1  }
0x7: {  	_ = 	snop  }
0x8: {  	(tm) =	ssettm $0x1  }
0x9: {  	s18 =	sld [smem:$0x3FFB];
	_ =	sdelay $0x3  }
0xa: {  	_ =	strace s18  }
0xb: {  	s1 =	sld [smem:$0x3FFC];
	_ =	sdelay $0x3  }
0xc: {  	_ =	strace s1  }
0xd: {  	s1 =	sld [smem:$0x3FFD];
	_ =	sdelay $0x3  }
0xe: {  	_ =	strace s1  }
0xf: {  	_ =	strace $0x8FFFFFFF  }
0x10: {  	s19 =	sld [smem:$0x3FDB];
	_ =	sdelay $0x1  }
0x11: {  	s20 =	simm.s32 $_scs_section_size  }
0x12: {  	s4 =	simm.s32 $_size__tile_overlayer_lowered;
	s5 =	simm.s32 $_tile_overlayer_lowered  }
0x13: {  	s23 =	simm.s32 $0x1BFF;
	s22 =	sshll.u32 s5, $0x1;
	s1 =	sadd.s32 s20, s19  }
0x14: {  	s6 =	simm.s32 $0x0;
	s21 =	sshll.u32 s4, $0x1;
	s4 =	sadd.s32 s22, s1  }
0x15: {  	[timem:s6], [sflag:s23] =	dma.local [hbm:s4], s21  }
0x16: {  	_ =	swait.ge [sflag:s23], s21  }
0x17: {  	s2 =	ssub.s32 $0x0, s21;
	[sflag:s23] =	ssyncset.done $0x0  }
0x18: {  	[sflag:s23] =	ssyncadd.s32 s2;
	_ =	sdelay $0x1  }
0x19: {  	s24 =	simm.s32 $0x1B8B  }
0x1a: {  	_ =	swait.ge [sflag:s24], $0x1  }
0x1b: {  	[sflag:s24] =	ssyncset.done $0x0  }
0x1c: {  	s26 =	simm.s32 $0x1B8E;
	s25 =	sld [smem:$0x3FFE];
	[sflag:s24] =	ssyncadd.s32 $0xFFFFFFFF  }
0x1d: {  	s27 =	simm.s32 $execute0_lowered;
	[smem:$0x3FD2] =	sst s26  }
0x1e: {  	s4 =	sshll.u32 s27, $0x1;
	_ =	strace $0x80000046;
	[dreg:$0x1] =	wrdreg $0xFFFFFFFF  }
0x1f: {  	s28 =	simm.s32 $_size_execute0_lowered;
	s1 =	sadd.s32 s1, s4;
	[dreg:$0x0] =	wrdreg $0x0  }
0x20: {  	s4 =	sshll.u32 s28, $0x1;
	[dreg:$0x2] =	wrdreg s1  }
0x21: {  	[dreg:$0x3] =	wrdreg s4  }
0x22: {  	[dreg:$0x4] =	wrdreg $0xC0  }
0x23: {  	_ =	task [dreg:s6], $0x5FFFF  }
0x24: {  	[dreg:$0x1] =	wrdreg $0xFFFFFFFF  }
0x25: {  	[dreg:$0x0] =	wrdreg $0x60  }
0x26: {  	[dreg:$0x2] =	wrdreg s25  }
0x27: {  	[dreg:$0x3] =	wrdreg $0x9  }
0x28: {  	_ =	task.clear_ibuf [dreg:s6], $0x4FFFF;
	_ =	strace $0x90000046  }
0x29: {  	s29 =	simm.s32 $0x9;
	_ =	strace $0x80000048  }
0x2a: {  	_ =	swait.ge [sflag:s29], $0x1  }
0x2b: {  	[sflag:s29] =	ssyncadd.s32 $0xFFFFFFFF  }
0x2c: {  	_ =	strace $0x90000048  }
0x2d: {  	_ =	sfence  }
0x2e: {  	s30 =	sld [smem:$0x0];
	_ =	sdelay $0x2  }
0x2f: {  	s31 =	sshll.u32 s3, $0xD;
	s3 =	sshrl.u32 s3, $0x2  }
0x30: {  	s2 =	sand.u32 $0x4000, s31;
	s1 =	sadd.s32 s3, s30  }
0x31: {  	s0 =	sor.u32 s2, s0;
	s1 =	sshll.u32 s1, $0x11  }
0x32: {  	s0 =	sor.u32 s1, s0  }
0x33: {  	s0 =	sadd.s32 $0x8F2B, s0  }
0x34: {  	[sflag:s0] =	ssyncadd.remote.s32 $0x1  }
0x35: {  	_ =	sfence.sel $0xFFFF  }
0x36: {  	[dreg:$0x0] =	wrdreg $0xFFFFFFFF;
	(pc) =	sbr.abs _section_cstart, $3  }
0x37: {  	[dreg:$0x1] =	wrdreg $0xFFFFFFFF  }
0x38: {  	_ =	task.clear_ibuf [dreg:s6], $0x2FFFF;
	_ =	strace $0x9FFFFFFF  }
0x39: {  	(tm) =	ssettm $0x7FFFFFFF  }
tec
execute0_lowered:
.L_overlay_start_1:
0x0: {  	(tag) =	ssettag $0x1  }
0x1: {  	s0 =	stileid.u32  }
0x2: {  	s1 =	srdreg.scid;
	s7 =	rddreg [dreg:$0x0];
	s31 =	simm.s32 $0x2  }
0x3: {  	s14 =	simm.s32 $0x0;
	s2 =	sshll.u32 s0, $0x5;
	s1 =	sshll.u32 s1, $0x9  }
0x4: {  	s10 =	simm.s32 $0x4FC00;
	s13 =	simm.s32 $0x0;
	s2 =	sor.u32 s2, s1  }
0x5: {  	s12 =	simm.s32 $0x0;
	s4 =	sshll.u32 s0, $0x7;
	s2 =	sand.u32 $0x300, s2  }
0x6: {  	s1 =	rddreg [dreg:$0x1];
	s4 =	sand.u32 $0x380, s4;
	s5 =	ssub.s32 $0x400, s2  }
0x7: {  	_ =	strace $0x80000047;
	s8 =	ssub.s32 $0x13E80, s4;
	s6 =	sand.u32 $0x300, s5  }
0x8: {  	s8 =	sshrl.u32 s8, $0xA;
	p0 =	sne.s32 s6, $0x0;
	s6 =	simm.s32 $0x1  }
.Ltmp0:
0x9: {  	s9 =	sshrl.u32 s5, $0xA;
	s6 =	simm.s32 @!p0 $0x0;
	(pc) =	sbr.rel .LBB1_1-.Ltmp0, $4  }
0xa: {  	s5 =	simm.s32 $0x1;
	s8 =	sadd.s32 $0x1, s8;
	s6 =	sadd.s32 s6, s9  }
0xb: {  	s3 =	sadd.s32 $0x1000, s7;
	[sflag:s5] =	ssyncpa.u1 $0x0;
	s6 =	smul.u32 s8, s6  }
0xc: {  	s7 =	sadd.s32 $0x4FC400, s7;
	s11 =	smov.u32 s4;
	[sflag:s31] =	ssyncpa.u1 $0x0  }
0xd: {  	p0 =	por $0x0, $0x0;
	s8 =	sshll.u32 s2, $0x3;
	s9 =	sadd.s32 $0x1, s6  }
.LBB1_4:
0xe: {  	[tilespmem:s18+$0x1 ss:$0x81] =	vst.msk $0xffff, v11;
	v8 =	vcombine.high v8, v10;
	v6 =	vperm.xlane.i2c.b16 v6;
	v50 =	vld [tilespmem:s17+$0x230];
	s14 =	sshrl.u32 s14, $0x3  }
0xf: {  	[tilespmem:s18+$0x810 ss:$0x81] =	vst.msk $0xffff, v12;
	v51 =	vcombine.low v7, v9;
	v3 =	vperm.xlane.i2c.b16 v3;
	s16 =	sshll.u32 s13, $0x3;
	v52 =	vld [tilespmem:s17+$0x240];
	s14 =	smul.u32 $0x9F800, s14  }
0x10: {  	v53 =	vcombine.high v7, v9;
	s29 =	sshll.u32 s13, $0x1;
	v54 =	vld [tilespmem:s17+$0x250];
	v0 =	vcombine.high v0, v1;
	s16 =	sand.u32 $0xFFFFFC00, s16;
	[tilespmem:s18+$0x811 ss:$0x81] =	vst.msk $0xffff, v8  }
0x11: {  	v5 =	vperm.xlane.i2c.b16 v5;
	v2 =	vperm.xlane.i2c.b16 v2;
	s13 =	sand.u32 $0xFE, s29;
	[tilespmem:s18+$0x1020 ss:$0x81] =	vst.msk $0xffff, v51;
	s14 =	sadd.s32 s16, s14  }
0x12: {  	v4 =	vperm.xlane.i2c.b16 v4;
	v55 =	vcombine.low v6, v3;
	[tilespmem:s15+$0x3061 ss:$0x81] =	vst.msk $0xffff, v0;
	s13 =	sor.u32 s13, s14  }
0x13: {  	v3 =	vcombine.high v6, v3;
	v56 =	vcombine.low v5, v2;
	[tilespmem:s18+$0x1021 ss:$0x81] =	vst.msk $0xffff, v53;
	s30 =	smulhi.u32 $0xCD712753, s13  }
0x14: {  	v2 =	vcombine.high v5, v2;
	[tilespmem:s18+$0x1830 ss:$0x81] =	vst.msk $0xffff, v55;
	v57 =	vperm.xlane.i2c.b16 v50  }
0x15: {  	[tilespmem:s18+$0x2040 ss:$0x81] =	vst.msk $0xffff, v56;
	s14 =	smulhi.u32 $0xCD712753, s14;
	v58 =	vperm.xlane.i2c.b16 v52;
	v60 =	vperm.xlane.i2c.b16 v54;
	s16 =	sshrl.u32 s30, $0x10  }
0x16: {  	[tilespmem:s18+$0x1831 ss:$0x81] =	vst.msk $0xffff, v3;
	v59 =	vcombine.low v4, v57;
	s16 =	smul.u32 $0x13F00, s16  }
0x17: {  	[tilespmem:s18+$0x2041 ss:$0x81] =	vst.msk $0xffff, v2;
	s14 =	sshrl.u32 s14, $0x10;
	v62 =	vcombine.low v58, v60  }
0x18: {  	v61 =	vcombine.high v4, v57;
	s14 =	sand.u32 $0x3FF, s14;
	[tilespmem:s18+$0x2850 ss:$0x81] =	vst.msk $0xffff, v59;
	s13 =	ssub.s32 s13, s16  }
0x19: {  	v63 =	vcombine.high v58, v60;
	s14 =	smul.u32 $0x13F0, s14;
	[tilespmem:s18+$0x3060 ss:$0x81] =	vst.msk $0xffff, v62;
	s31 =	sshrl.u32 s13, $0x4;
	s13 =	sshll.u32 s13, $0x11  }
0x1a: {  	[tilespmem:s18+$0x2851 ss:$0x81] =	vst.msk $0xffff, v61;
	s15 =	sadd.s32 s7, s31;
	s13 =	sand.u32 $0x1C0000, s13  }
0x1b: {  	[tilespmem:s18+$0x3061 ss:$0x81] =	vst.msk $0xffff, v63;
	s14 =	sadd.s32 s14, s15;
	s13 =	sor.u32 $0x200, s13  }
0x1c: {  	[hbm4b:s14+s13] =	stream.strided.scatter [tilespmem:s20], [sflag:$0x2], $0x4000, s10, s13, $0x20;
	[tilespmem:$0x10100] =	vst v63  }
.LBB1_5:
0x1d: {  	s15 =	sadd.s32 $0x400, s11  }
0x1e: {  	p2 =	sgt.s32 s15, $0x13ECF  }
0x1f: {  	s15 =	smov.u32 @p2 s4;
	p2 =	sne.s32 s12, s9  }
.Ltmp1:
0x20: {  	p1 =	slt.u32 s12, $0x2;
	(pc) =	sbr.rel @!p2 .LBB1_6-.Ltmp1, $4  }
0x21: {  	s14 =	simm.s32 @!p1 $0x2  }
0x22: {  	s16 =	sadd.s32 $0x1, s12;
	s13 =	smov.u32 s11;
	_ =	swait.ge @!p1 [sflag:s14], $0x4000  }
0x23: {  	p0 =	por !p0, !p0;
	s12 =	smov.u32 s16;
	[sflag:s14] =	ssyncset.done @!p1 $0x0  }
0x24: {  	s11 =	smov.u32 s15;
	[sflag:s14] =	ssyncadd.s32 @!p1 $0xFFFFC000;
	s14 =	smov.u32 s2  }
.LBB1_1:
0x25: {  	p1 =	sge.u32 s12, s6  }
0x26: {  	s15 =	sshll.u32 @!p1 s11, $0xA  }
0x27: {  	s15 =	sand.u32 @!p1 $0xFFFFE000, s15  }
0x28: {  	s16 =	smov.u32 s11;
	p2 =	sgt.s32 @!p1 s11, $0x13E50;
	s15 =	sor.u32 @!p1 s8, s15  }
0x29: {  	s17 =	sshra.s32 @!p1 s11, $0x1F;
	p2 =	por !p2, p1;
	s15 =	sshrl.u32 @!p1 s15, $0xA  }
0x2a: {  	s17 =	sand.u32 @!p1 s17, s11;
	s16 =	simm.s32 @p2 $0x13E50;
	s18 =	smulhi.u32 @!p1 $0x19B203, s15  }
0x2b: {  	s16 =	ssub.s32 @!p1 s16, s17  }
0x2c: {  	s16 =	sadd.s32 @!p1 $0xFFFEC1B0, s16;
	s17 =	sshrl.u32 @!p1 s18, $0x5  }
0x2d: {  	s18 =	sshll.u32 @!p1 s16, $0x8;
	s17 =	smul.u32 @!p1 $0x13ED0, s17  }
0x2e: {  	s31 =	sadd.s32 $0xFFFFFFFF, s12;
	s19 =	sxor.u32 @!p1 $0xFFFFFFFF, s12;
	s18 =	ssub.s32 @!p1 $0x8000, s18  }
0x2f: {  	s15 =	ssub.s32 @!p1 s15, s17;
	s17 =	sshrl.u32 @!p1 s18, $0x1;
	s18 =	sshll.u32 @!p1 s11, $0x3  }
0x30: {  	p2 =	sgt.s32 @!p1 s16, $0x7F;
	s16 =	sand.u32 @!p1 $0x3FFFFF80, s17;
	s17 =	sand.u32 @!p1 $0x30, s18  }
0x31: {  	p2 =	por !p2, p1;
	s15 =	sshll.u32 @!p1 s15, $0x6;
	s17 =	sadd.s32 @!p1 s3, s17  }
0x32: {  	s18 =	simm.s32 @!p1 $0x400;
	s15 =	sadd.s32 @!p1 s15, s17;
	s17 =	sshll.u32 @!p1 s19, $0xE  }
0x33: {  	s16 =	simm.s32 @!p2 $0x0;
	s19 =	simm.s32 @!p1 $0x1000;
	s17 =	sand.u32 @!p1 $0x4000, s17  }
0x34: {  	[tilespmem:s17], [sflag:$0x1] =	stream.strided.gather @!p1 [hbm4b:s15+s18], s16, s19, s18, $0x38;
	[tilespmem:$0x10100] =	vst v63  }
0x35: {  	p1 =	sge.u32 s31, s6  }
.Ltmp2:
0x36: {  	_ = 	snop;
	(pc) =	sbr.rel @p1 .LBB1_5-.Ltmp2, $1  }
0x37: {  	_ =	sdelay $0x3  }
0x38: {  	p1 =	sgt.s32 s13, $0x13E50;
	s15 =	smov.u32 s13;
	s16 =	sshra.s32 s13, $0x1F  }
0x39: {  	s15 =	simm.s32 @!p1 $0x13E50;
	s16 =	sand.u32 s16, s13  }
0x3a: {  	s15 =	ssub.s32 s15, s16  }
0x3b: {  	s15 =	sadd.s32 $0xFFFEC1B0, s15  }
0x3c: {  	s28 =	sshll.u32 s15, $0x8  }
0x3d: {  	s16 =	ssub.s32 $0x8000, s28  }
0x3e: {  	s16 =	sshrl.u32 s16, $0x1  }
0x3f: {  	s19 =	simm.s32 $0x0;
	p1 =	sgt.s32 s15, $0x7F;
	s15 =	sand.u32 $0x3FFFFF80, s16  }
0x40: {  	s18 =	sand.u32 $0x1, s12;
	s29 =	sand.u32 $0x3C00, s19;
	s15 =	simm.s32 @p1 $0x0  }
0x41: {  	s19 =	sand.u32 $0x180, s19;
	s16 =	sshll.u32 s18, $0xE;
	_ =	swait.ge [sflag:s5], s15  }
0x42: {  	s17 =	ssub.s32 $0x0, s15;
	s15 =	sadd.s32 s29, s16;
	[sflag:s5] =	ssyncset.done $0x0  }
0x43: {  	s20 =	sadd.s32 s19, s15;
	[sflag:s5] =	ssyncadd.s32 s17  }
0x44: {  	v0 =	vld [tilespmem:s20+$0x260]  }
0x45: {  	v1 =	vld [tilespmem:s20+$0x270]  }
0x46: {  	v2 =	vld [tilespmem:s20+$0x0]  }
0x47: {  	v3 =	vld [tilespmem:s20+$0x10]  }
0x48: {  	v4 =	vld [tilespmem:s20+$0x20]  }
0x49: {  	s15 =	simm.s32 $0x1;
	v5 =	vld [tilespmem:s20+$0x30]  }
0x4a: {  	s15 =	simm.s32 @!p0 $0x0;
	v6 =	vld [tilespmem:s20+$0x40]  }
0x4b: {  	s15 =	smul.u32 $0x10200, s15;
	v7 =	vld [tilespmem:s20+$0x50];
	v1 =	vperm.xlane.i2c.b16 v1;
	v0 =	vperm.xlane.i2c.b16 v0  }
0x4c: {  	v8 =	vld [tilespmem:s20+$0x60];
	v2 =	vperm.xlane.i2c.b16 v2;
	v3 =	vperm.xlane.i2c.b16 v3  }
0x4d: {  	v10 =	vld [tilespmem:s20+$0x70];
	s15 =	sshrl.u32 s15, $0x2;
	v9 =	vcombine.low v0, v1;
	v0 =	vcombine.high v0, v1  }
0x4e: {  	s15 =	sor.u32 $0x8000, s15;
	v1 =	vperm.xlane.i2c.b16 v5;
	v5 =	vld [tilespmem:s20+$0x200];
	v11 =	vcombine.low v2, v3  }
0x4f: {  	v4 =	vperm.xlane.i2c.b16 v4;
	v2 =	vcombine.high v2, v3;
	v3 =	vld [tilespmem:s20+$0x210];
	[tilespmem:s15+$0x3870 ss:$0x81] =	vst.msk $0xffff, v9  }
0x50: {  	s30 =	simm.s32 $0x100;
	v6 =	vperm.xlane.i2c.b16 v6;
	v7 =	vperm.xlane.i2c.b16 v7;
	v9 =	vld [tilespmem:s20+$0x220];
	[tilespmem:s15+$0x0 ss:$0x81] =	vst.msk $0xffff, v11  }
0x51: {  	s19 =	simm.s32 $0x80;
	s17 =	sand.u32 $0x3C00, s30;
	[tilespmem:s15+$0x3871 ss:$0x81] =	vst.msk $0xffff, v0;
	v0 =	vcombine.low v4, v1;
	v1 =	vcombine.high v4, v1;
	v4 =	vld [tilespmem:s20+$0x230]  }
0x52: {  	s21 =	sand.u32 $0x180, s19;
	s17 =	sadd.s32 s17, s16;
	[tilespmem:s15+$0x1 ss:$0x81] =	vst.msk $0xffff, v2;
	v2 =	vperm.xlane.i2c.b16 v8;
	v8 =	vperm.xlane.i2c.b16 v10;
	v10 =	vld [tilespmem:s20+$0x240]  }
0x53: {  	s17 =	sadd.s32 s21, s17;
	[tilespmem:s15+$0x810 ss:$0x81] =	vst.msk $0xffff, v0;
	v0 =	vcombine.low v6, v7;
	v6 =	vcombine.high v6, v7;
	v7 =	vld [tilespmem:s20+$0x250]  }
0x54: {  	v11 =	vcombine.low v2, v8;
	[tilespmem:s15+$0x811 ss:$0x81] =	vst.msk $0xffff, v1;
	v1 =	vperm.xlane.i2c.b16 v5;
	v5 =	vld [tilespmem:s17+$0x260]  }
0x55: {  	v2 =	vcombine.high v2, v8;
	[tilespmem:s15+$0x1020 ss:$0x81] =	vst.msk $0xffff, v0;
	v0 =	vperm.xlane.i2c.b16 v3;
	v3 =	vld [tilespmem:s17+$0x270]  }
0x56: {  	v8 =	vld [tilespmem:s17+$0x0];
	[tilespmem:s15+$0x1021 ss:$0x81] =	vst.msk $0xffff, v6;
	v6 =	vperm.xlane.i2c.b16 v9;
	v4 =	vperm.xlane.i2c.b16 v4  }
0x57: {  	[tilespmem:s15+$0x1830 ss:$0x81] =	vst.msk $0xffff, v11;
	v11 =	vld [tilespmem:s17+$0x10];
	v9 =	vcombine.low v1, v0;
	v12 =	vcombine.high v1, v0  }
0x58: {  	[tilespmem:s15+$0x1831 ss:$0x81] =	vst.msk $0xffff, v2;
	v2 =	vld [tilespmem:s17+$0x20];
	v0 =	vperm.xlane.i2c.b16 v10;
	v10 =	vcombine.low v6, v4  }
0x59: {  	v1 =	vperm.xlane.i2c.b16 v7;
	v7 =	vld [tilespmem:s17+$0x30];
	v4 =	vcombine.high v6, v4;
	[tilespmem:s15+$0x2040 ss:$0x81] =	vst.msk $0xffff, v9  }
0x5a: {  	v9 =	vld [tilespmem:s17+$0x40];
	v5 =	vperm.xlane.i2c.b16 v5;
	[tilespmem:s15+$0x2041 ss:$0x81] =	vst.msk $0xffff, v12;
	v12 =	vperm.xlane.i2c.b16 v3  }
0x5b: {  	v14 =	vld [tilespmem:s17+$0x50];
	v13 =	vperm.xlane.i2c.b16 v8;
	[tilespmem:s15+$0x2850 ss:$0x81] =	vst.msk $0xffff, v10;
	v10 =	vcombine.low v0, v1  }
0x5c: {  	v6 =	vld [tilespmem:s17+$0x60];
	[tilespmem:s15+$0x2851 ss:$0x81] =	vst.msk $0xffff, v4;
	v4 =	vperm.xlane.i2c.b16 v11;
	v11 =	vcombine.low v5, v12  }
0x5d: {  	s31 =	smul.u32 $0x10200, s18;
	s18 =	sadd.s32 $0x2, s15;
	v3 =	vld [tilespmem:s17+$0x70];
	v8 =	vperm.xlane.i2c.b16 v2;
	v12 =	vcombine.high v5, v12;
	[tilespmem:s15+$0x3060 ss:$0x81] =	vst.msk $0xffff, v10  }
0x5e: {  	v5 =	vld [tilespmem:s17+$0x200];
	v15 =	vcombine.low v13, v4;
	v10 =	vperm.xlane.i2c.b16 v7;
	[tilespmem:s18+$0x3870 ss:$0x81] =	vst.msk $0xffff, v11  }
0x5f: {  	s20 =	sshrl.u32 s31, $0x2;
	v2 =	vld [tilespmem:s17+$0x210];
	v11 =	vcombine.high v13, v4;
	v7 =	vperm.xlane.i2c.b16 v9;
	[tilespmem:s18+$0x3871 ss:$0x81] =	vst.msk $0xffff, v12  }
0x60: {  	s22 =	simm.s32 $0x200;
	s21 =	simm.s32 $0x2;
	s20 =	sor.u32 $0x8000, s20;
	v9 =	vperm.xlane.i2c.b16 v14;
	v4 =	vld [tilespmem:s17+$0x220];
	[tilespmem:s18+$0x0 ss:$0x81] =	vst.msk $0xffff, v15;
	v12 =	vcombine.low v8, v10  }
.LBB1_3:
0x61: {  	s23 =	sand.u32 $0x3C00, s22;
	[tilespmem:s18+$0x1 ss:$0x81] =	vst.msk $0xffff, v11;
	v8 =	vcombine.high v8, v10;
	v6 =	vperm.xlane.i2c.b16 v6;
	v10 =	vld [tilespmem:s17+$0x230];
	s19 =	sadd.s32 $0x80, s19  }
0x62: {  	v11 =	vcombine.low v7, v9;
	v3 =	vperm.xlane.i2c.b16 v3;
	s24 =	sand.u32 $0x180, s19;
	s23 =	sadd.s32 s23, s16;
	[tilespmem:s18+$0x810 ss:$0x81] =	vst.msk $0xffff, v12;
	v12 =	vld [tilespmem:s17+$0x240]  }
0x63: {  	s21 =	sadd.s32 $0x2, s21;
	v7 =	vcombine.high v7, v9;
	v5 =	vperm.xlane.i2c.b16 v5;
	[tilespmem:s18+$0x811 ss:$0x81] =	vst.msk $0xffff, v8;
	v8 =	vld [tilespmem:s17+$0x250];
	s17 =	sadd.s32 s24, s23  }
0x64: {  	v2 =	vperm.xlane.i2c.b16 v2;
	p1 =	slt.u32 s21, $0x7E;
	v9 =	vld [tilespmem:s17+$0x260];
	[tilespmem:s18+$0x1020 ss:$0x81] =	vst.msk $0xffff, v11;
	v11 =	vcombine.low v6, v3  }
0x65: {  	v4 =	vperm.xlane.i2c.b16 v4;
	v3 =	vcombine.high v6, v3;
	v13 =	vld [tilespmem:s17+$0x270];
	[tilespmem:s18+$0x1021 ss:$0x81] =	vst.msk $0xffff, v7  }
0x66: {  	v7 =	vcombine.low v5, v2;
	v6 =	vld [tilespmem:s17+$0x0];
	[tilespmem:s18+$0x1830 ss:$0x81] =	vst.msk $0xffff, v11;
	v10 =	vperm.xlane.i2c.b16 v10  }
0x67: {  	v2 =	vcombine.high v5, v2;
	v11 =	vld [tilespmem:s17+$0x10];
	[tilespmem:s18+$0x1831 ss:$0x81] =	vst.msk $0xffff, v3;
	v3 =	vperm.xlane.i2c.b16 v12  }
0x68: {  	v5 =	vld [tilespmem:s17+$0x20];
	[tilespmem:s18+$0x2040 ss:$0x81] =	vst.msk $0xffff, v7;
	v7 =	vcombine.low v4, v10;
	v8 =	vperm.xlane.i2c.b16 v8  }
0x69: {  	v12 =	vld [tilespmem:s17+$0x30];
	[tilespmem:s18+$0x2041 ss:$0x81] =	vst.msk $0xffff, v2;
	v2 =	vcombine.high v4, v10;
	v4 =	vcombine.high v0, v1;
	v0 =	vmov v3  }
0x6a: {  	v9 =	vperm.xlane.i2c.b16 v9;
	v14 =	vld [tilespmem:s17+$0x40];
	v10 =	vperm.xlane.i2c.b16 v13;
	[tilespmem:s18+$0x2850 ss:$0x81] =	vst.msk $0xffff, v7;
	v1 =	vmov v8  }
0x6b: {  	v7 =	vperm.xlane.i2c.b16 v6;
	v13 =	vld [tilespmem:s17+$0x50];
	[tilespmem:s18+$0x2851 ss:$0x81] =	vst.msk $0xffff, v2;
	v2 =	vcombine.low v0, v1  }
.Ltmp3:
0x6c: {  	v11 =	vperm.xlane.i2c.b16 v11;
	v6 =	vld [tilespmem:s17+$0x60];
	v15 =	vcombine.low v9, v10;
	[tilespmem:s15+$0x3061 ss:$0x81] =	vst.msk $0xffff, v4;
	s15 =	smov.u32 s18;
	(pc) =	sbr.rel @p1 .LBB1_3-.Ltmp3, $4  }
0x6d: {  	v4 =	vcombine.high v9, v10;
	s18 =	sadd.s32 $0x2, s18;
	v8 =	vperm.xlane.i2c.b16 v5;
	v3 =	vld [tilespmem:s17+$0x70];
	[tilespmem:s15+$0x3060 ss:$0x81] =	vst.msk $0xffff, v2  }
0x6e: {  	v9 =	vcombine.low v7, v11;
	v10 =	vperm.xlane.i2c.b16 v12;
	v5 =	vld [tilespmem:s17+$0x200];
	[tilespmem:s18+$0x3870 ss:$0x81] =	vst.msk $0xffff, v15  }
0x6f: {  	v11 =	vcombine.high v7, v11;
	v7 =	vperm.xlane.i2c.b16 v14;
	v2 =	vld [tilespmem:s17+$0x210];
	[tilespmem:s18+$0x3871 ss:$0x81] =	vst.msk $0xffff, v4  }
0x70: {  	s22 =	sadd.s32 $0x100, s22;
	[tilespmem:s18+$0x0 ss:$0x81] =	vst.msk $0xffff, v9;
	v12 =	vcombine.low v8, v10;
	v9 =	vperm.xlane.i2c.b16 v13;
	v4 =	vld [tilespmem:s17+$0x220]  }
.Ltmp4:
0x71: {  	_ = 	snop;
	(pc) =	sbr.rel .LBB1_4-.Ltmp4, $1  }
0x72: {  	_ =	sdelay $0x3  }
.LBB1_6:
0x73: {  	_ =	sfence.sel $0x180000  }
0x74: {  	s2 =	simm.s32 $0x1;
	[bflag:$0x0] =	sbarrier.arrive $0xFFFF  }
0x75: {  	s31 =	simm.s32 $0x2;
	[sflag:s2] =	ssyncpa.u1 $0x1  }
0x76: {  	[sflag:s31] =	ssyncpa.u1 $0x1  }
0x77: {  	p0 =	sne.s32 s0, $0x0;
	_ =	strace $0x90000047  }
0x78: {  	s0 =	sadd.s32 @!p0 $0x100000, s1;
	[bflag:$0x2] =	sbarrier.arrive $0xFFFF  }
0x79: {  	[sflag:s0] =	ssyncadd.tile.s32 @!p0 $0x1;
	_ =	shalt  }
.Lfunc_end1:
_tile_overlayer_lowered:
.L_overlay_start_2:
0x7a: {  	(tag) =	ssettag $0x2  }
0x7b: {  	s0 =	rddreg [dreg:$0x0];
	s2 =	stileid.u32  }
0x7c: {  	s1 =	rddreg [dreg:$0x1];
	p0 =	sne.s32 s2, $0x0  }
0x7d: {  	s3 =	rddreg [dreg:$0x2];
	[bflag:$0x3] =	sbarrier.arrive $0xFFFF;
	s2 =	simm.s32 @!p0 $0x1C01  }
0x7e: {  	[timem:s3], [sflag:s2] =	dma.local @!p0 [hbm:s0], s1  }
0x7f: {  	s0 =	simm.s32 @!p0 $0x1  }
0x80: {  	_ =	swait.ge @!p0 [sflag:s0], s1  }
0x81: {  	s1 =	ssub.s32 @!p0 $0x0, s1;
	[sflag:s0] =	ssyncset.done @!p0 $0x0  }
0x82: {  	[sflag:s0] =	ssyncadd.s32 @!p0 s1  }
0x83: {  	[bflag:$0x3] =	sbarrier.arrive $0xFFFF  }
0x84: {  	_ =	shalt  }

// kernel: sparse-core-data-format-call.cloned.1.call-start
scs
called_computation_lowered:
.L_overlay_start_0:
0x0: {  	s1 =	sld [smem:$0x3FD9]  }
0x1: {  	s2 =	sld [smem:$0x3FFE];
	_ =	sdelay $0x1  }
0x2: {  	s3 =	srdreg.scid  }
0x3: {  	s0 =	sand.u32 $0x1, s3  }
0x4: {  	s17 =	sshll.u32 s0, $0xA;
	s1 =	sadd.s32 s2, s1  }
0x5: {  	s1 =	sadd.s32 s1, s17  }
0x6: {  	[smem:$0x3FC5] =	sst s1  }
0x7: {  	_ = 	snop  }
0x8: {  	(tm) =	ssettm $0x1  }
0x9: {  	s18 =	sld [smem:$0x3FFB];
	_ =	sdelay $0x3  }
0xa: {  	_ =	strace s18  }
0xb: {  	s1 =	sld [smem:$0x3FFC];
	_ =	sdelay $0x3  }
0xc: {  	_ =	strace s1  }
0xd: {  	s1 =	sld [smem:$0x3FFD];
	_ =	sdelay $0x3  }
0xe: {  	_ =	strace s1  }
0xf: {  	_ =	strace $0x8FFFFFFF  }
0x10: {  	s19 =	sld [smem:$0x3FDB];
	_ =	sdelay $0x1  }
0x11: {  	s20 =	simm.s32 $_scs_section_size  }
0x12: {  	s4 =	simm.s32 $_size__tile_overlayer_lowered;
	s5 =	simm.s32 $_tile_overlayer_lowered  }
0x13: {  	s23 =	simm.s32 $0x1BFF;
	s22 =	sshll.u32 s5, $0x1;
	s1 =	sadd.s32 s20, s19  }
0x14: {  	s6 =	simm.s32 $0x0;
	s21 =	sshll.u32 s4, $0x1;
	s4 =	sadd.s32 s22, s1  }
0x15: {  	[timem:s6], [sflag:s23] =	dma.local [hbm:s4], s21  }
0x16: {  	_ =	swait.ge [sflag:s23], s21  }
0x17: {  	s2 =	ssub.s32 $0x0, s21;
	[sflag:s23] =	ssyncset.done $0x0  }
0x18: {  	[sflag:s23] =	ssyncadd.s32 s2;
	_ =	sdelay $0x1  }
0x19: {  	s24 =	simm.s32 $0x1B8B  }
0x1a: {  	_ =	swait.ge [sflag:s24], $0x1  }
0x1b: {  	[sflag:s24] =	ssyncset.done $0x0  }
0x1c: {  	s26 =	simm.s32 $0x1B8E;
	s25 =	sld [smem:$0x3FFE];
	[sflag:s24] =	ssyncadd.s32 $0xFFFFFFFF  }
0x1d: {  	s27 =	simm.s32 $execute0_lowered;
	[smem:$0x3FD2] =	sst s26  }
0x1e: {  	s4 =	sshll.u32 s27, $0x1;
	_ =	strace $0x8000004C;
	[dreg:$0x1] =	wrdreg $0xFFFFFFFF  }
0x1f: {  	s28 =	simm.s32 $_size_execute0_lowered;
	s1 =	sadd.s32 s1, s4;
	[dreg:$0x0] =	wrdreg $0x0  }
0x20: {  	s4 =	sshll.u32 s28, $0x1;
	[dreg:$0x2] =	wrdreg s1  }
0x21: {  	[dreg:$0x3] =	wrdreg s4  }
0x22: {  	[dreg:$0x4] =	wrdreg $0xC0  }
0x23: {  	_ =	task [dreg:s6], $0x5FFFF  }
0x24: {  	[dreg:$0x1] =	wrdreg $0xFFFFFFFF  }
0x25: {  	[dreg:$0x0] =	wrdreg $0x60  }
0x26: {  	[dreg:$0x2] =	wrdreg s25  }
0x27: {  	[dreg:$0x3] =	wrdreg $0x9  }
0x28: {  	_ =	task.clear_ibuf [dreg:s6], $0x4FFFF;
	_ =	strace $0x9000004C  }
0x29: {  	s29 =	simm.s32 $0x9;
	_ =	strace $0x8000004E  }
0x2a: {  	_ =	swait.ge [sflag:s29], $0x1  }
0x2b: {  	[sflag:s29] =	ssyncadd.s32 $0xFFFFFFFF  }
0x2c: {  	_ =	strace $0x9000004E  }
0x2d: {  	_ =	sfence  }
0x2e: {  	s30 =	sld [smem:$0x0];
	_ =	sdelay $0x2  }
0x2f: {  	s31 =	sshll.u32 s3, $0xD;
	s3 =	sshrl.u32 s3, $0x2  }
0x30: {  	s2 =	sand.u32 $0x4000, s31;
	s1 =	sadd.s32 s3, s30  }
0x31: {  	s0 =	sor.u32 s2, s0;
	s1 =	sshll.u32 s1, $0x11  }
0x32: {  	s0 =	sor.u32 s1, s0  }
0x33: {  	s0 =	sadd.s32 $0x8F2B, s0  }
0x34: {  	[sflag:s0] =	ssyncadd.remote.s32 $0x1  }
0x35: {  	_ =	sfence.sel $0xFFFF  }
0x36: {  	[dreg:$0x0] =	wrdreg $0xFFFFFFFF;
	(pc) =	sbr.abs _section_cstart, $3  }
0x37: {  	[dreg:$0x1] =	wrdreg $0xFFFFFFFF  }
0x38: {  	_ =	task.clear_ibuf [dreg:s6], $0x2FFFF;
	_ =	strace $0x9FFFFFFF  }
0x39: {  	(tm) =	ssettm $0x7FFFFFFF  }
tec
execute0_lowered:
.L_overlay_start_1:
0x0: {  	(tag) =	ssettag $0x1  }
0x1: {  	s4 =	rddreg [dreg:$0x0]  }
0x2: {  	s0 =	rddreg [dreg:$0x1];
	_ =	strace $0x8000004D;
	s3 =	srdreg.scid  }
0x3: {  	s1 =	stileid.u32;
	s6 =	simm.s32 $0x2;
	s12 =	simm.s32 $0x0  }
0x4: {  	p0 =	por $0x0, $0x0;
	s7 =	simm.s32 $0x400;
	s13 =	simm.s32 $0x0  }
.Ltmp0:
0x5: {  	s14 =	simm.s32 $0x0;
	s9 =	simm.s32 $0x0;
	(pc) =	sbr.rel .LBB1_1-.Ltmp0, $4  }
0x6: {  	s10 =	simm.s32 $0x0;
	s8 =	simm.s32 $0x0;
	s5 =	sshll.u32 s3, $0x4  }
0x7: {  	s2 =	sadd.s32 $0x1000, s4;
	s3 =	simm.s32 $0x1;
	s5 =	sand.u32 $0x10, s5  }
0x8: {  	s4 =	sadd.s32 $0x501000, s4;
	[sflag:s3] =	ssyncpa.u1 $0x0;
	s5 =	sor.u32 s1, s5  }
0x9: {  	[sflag:s6] =	ssyncpa.u1 $0x0;
	s6 =	simm.s32 $0x80;
	s11 =	smov.u32 s5  }
.LBB1_5:
0xa: {  	s15 =	sadd.s32 $0x80, s9  }
0xb: {  	s12 =	sadd.s32 $0x2, s10;
	s16 =	smov.u32 s10;
	p2 =	sgt.s32 s15, $0x27F  }
0xc: {  	s16 =	smov.u32 @p2 s12  }
0xd: {  	s18 =	smov.u32 s11;
	s12 =	sadd.s32 $0x20, s11;
	p3 =	sgt.s32 s16, $0xF  }
0xe: {  	p1 =	slt.u32 s8, $0x2;
	s18 =	smov.u32 @p3 s12  }
0xf: {  	s8 =	sadd.s32 $0x1, s8;
	s15 =	simm.s32 @p2 $0x0;
	p2 =	sgt.s32 s18, $0x3F  }
0x10: {  	s18 =	smov.u32 @p2 s5;
	p2 =	sne.s32 s8, $0x52  }
.Ltmp1:
0x11: {  	s17 =	simm.s32 @!p1 $0x2;
	(pc) =	sbr.rel @!p2 .LBB1_6-.Ltmp1, $4  }
0x12: {  	s13 =	smov.u32 s10;
	_ =	swait.ge @!p1 [sflag:s17], $0x4000  }
0x13: {  	s14 =	smov.u32 s11;
	p0 =	por !p0, !p0;
	[sflag:s17] =	ssyncset.done @!p1 $0x0  }
0x14: {  	s16 =	simm.s32 @p3 $0x0;
	s12 =	smov.u32 s9;
	[sflag:s17] =	ssyncadd.s32 @!p1 $0xFFFFC000  }
0x15: {  	s9 =	smov.u32 s15;
	s10 =	smov.u32 s16;
	s11 =	smov.u32 s18  }
.LBB1_1:
0x16: {  	p1 =	sgt.u32 s8, $0x4F  }
0x17: {  	s15 =	sand.u32 @!p1 $0x1FFFFFE, s9  }
0x18: {  	s16 =	smulhi.u32 @!p1 $0xCCCCCD, s15;
	_ =	sdelay $0x1  }
0x19: {  	s17 =	smul.u32 @!p1 $0x14000, s11;
	s16 =	sshrl.u32 @!p1 s16, $0x1  }
0x1a: {  	s16 =	smul.u32 @!p1 $0x280, s16  }
0x1b: {  	s18 =	smul.u32 @!p1 $0x1400, s10  }
0x1c: {  	s15 =	ssub.s32 @!p1 s15, s16;
	s16 =	sadd.s32 @!p1 s2, s17  }
0x1d: {  	s17 =	sxor.u32 @!p1 $0xFFFFFFFF, s8;
	s15 =	sshll.u32 @!p1 s15, $0x3;
	s16 =	sadd.s32 @!p1 s18, s16  }
0x1e: {  	s15 =	sadd.s32 @!p1 s15, s16;
	s16 =	sshll.u32 @!p1 s17, $0xE  }
0x1f: {  	s18 =	simm.s32 @!p1 $0xA000;
	s17 =	simm.s32 @!p1 $0x2000;
	s16 =	sand.u32 @!p1 $0x4000, s16  }
0x20: {  	[tilespmem:s16], [sflag:$0x1] =	stream.strided.gather @!p1 [hbm4b:s15+s17], $0x4000, s18, s17, $0x38;
	[tilespmem:$0x10000] =	vst v63  }
0x21: {  	p1 =	seq.s32 s8, $0x0  }
0x22: {  	p2 =	seq.s32 @!p1 s8, $0x51  }
0x23: {  	p1 =	por p1, p2  }
.Ltmp2:
0x24: {  	_ = 	snop;
	(pc) =	sbr.rel @p1 .LBB1_5-.Ltmp2, $1  }
0x25: {  	_ =	sdelay $0x3  }
0x26: {  	s15 =	simm.s32 $0x1  }
0x27: {  	_ =	swait.ge [sflag:s3], $0x4000;
	s15 =	simm.s32 @!p0 $0x0  }
0x28: {  	[sflag:s3] =	ssyncset.done $0x0;
	s15 =	sshll.u32 s15, $0xE  }
0x29: {  	[sflag:s3] =	ssyncadd.s32 $0xFFFFC000;
	s17 =	sor.u32 $0x2000, s15  }
0x2a: {  	v0 =	vld [tilespmem:s17+$0xFFFFE070]  }
0x2b: {  	v1 =	vld [tilespmem:s17+$0x70]  }
0x2c: {  	v2 =	vld [tilespmem:s17+$0x0]  }
0x2d: {  	v3 =	vld [tilespmem:s17+$0xFFFFE010]  }
0x2e: {  	v4 =	vld [tilespmem:s17+$0x10]  }
0x2f: {  	v5 =	vld [tilespmem:s17+$0xFFFFE020]  }
0x30: {  	v7 =	vld [tilespmem:s17+$0x20]  }
0x31: {  	v12 =	vld [tilespmem:s17+$0xFFFFE040];
	v6 =	vunpack.i.l.s16.s32 v0;
	v8 =	vunpack.i.u.s16.s32 v0;
	v9 =	vunpack.i.u.s16.s32 v1  }
0x32: {  	v10 =	vunpack.i.l.s16.s32 v1;
	v0 =	vunpack.i.u.s16.s32 v2;
	v1 =	vunpack.i.l.s16.s32 v2;
	v2 =	vld [tilespmem:s17+$0xFFFFE030]  }
0x33: {  	s15 =	sor.u32 $0x8080, s15;
	v11 =	vld [tilespmem:s17+$0x30];
	v8 =	vpack.i.b32.b16 v9, v8;
	v9 =	vunpack.i.u.s16.s32 v3;
	v3 =	vunpack.i.l.s16.s32 v3  }
0x34: {  	v6 =	vpack.i.b32.b16 v10, v6;
	[tilespmem:s15+$0x70] =	vst v8;
	v8 =	vunpack.i.u.s16.s32 v4;
	v4 =	vunpack.i.l.s16.s32 v4  }
0x35: {  	v13 =	vld [tilespmem:s17+$0x40];
	v10 =	vunpack.i.u.s16.s32 v5;
	v5 =	vunpack.i.l.s16.s32 v5;
	[tilespmem:s15+$0xFFFFFFF0] =	vst v6;
	v3 =	vpack.i.b32.b16 v4, v3  }
0x36: {  	v6 =	vunpack.i.u.s16.s32 v7;
	v7 =	vunpack.i.l.s16.s32 v7;
	v4 =	vld [tilespmem:s17+$0xFFFFE050];
	[tilespmem:s15+$0xFFFFFF90] =	vst v3;
	v3 =	vpack.i.b32.b16 v8, v9  }
0x37: {  	v8 =	vunpack.i.l.s16.s32 v12;
	[tilespmem:s15+$0x10] =	vst v3;
	v3 =	vpack.i.b32.b16 v7, v5;
	v9 =	vunpack.i.u.s16.s32 v2;
	v5 =	vld [tilespmem:s17+$0x50]  }
0x38: {  	s16 =	sshll.u32 s8, $0xE;
	v7 =	vunpack.i.l.s16.s32 v2;
	v2 =	vld [tilespmem:s17+$0xFFFFE060];
	[tilespmem:s15+$0xFFFFFFA0] =	vst v3;
	v3 =	vpack.i.b32.b16 v6, v10;
	v6 =	vunpack.i.l.s16.s32 v11  }
0x39: {  	s18 =	simm.s32 $0x0;
	s16 =	sand.u32 $0x4000, s16;
	v10 =	vunpack.i.u.s16.s32 v11;
	[tilespmem:s15+$0x20] =	vst v3;
	v11 =	vpack.i.b32.b16 v6, v7;
	v7 =	vunpack.i.u.s16.s32 v12;
	v3 =	vld [tilespmem:s17+$0x60]  }
0x3a: {  	s16 =	sor.u32 $0x8000, s16;
	s19 =	sadd.s32 $0x80, s17;
	v6 =	vld [tilespmem:s17+$0xFFFFE000];
	v10 =	vpack.i.b32.b16 v10, v9;
	v9 =	vunpack.i.u.s16.s32 v13;
	s17 =	smov.u32 s15;
	[tilespmem:s15+$0xFFFFFFB0] =	vst v11;
	v11 =	vunpack.i.l.s16.s32 v13  }
.LBB1_3:
0x3b: {  	v12 =	vld [tilespmem:s19+$0xFFFFE070];
	[tilespmem:s15+$0x30] =	vst v10;
	v8 =	vpack.i.b32.b16 v11, v8;
	v10 =	vunpack.i.u.s16.s32 v4;
	v4 =	vunpack.i.l.s16.s32 v4  }
0x3c: {  	s18 =	sadd.s32 $0x2, s18;
	v7 =	vpack.i.b32.b16 v9, v7;
	v11 =	vld [tilespmem:s19+$0x70];
	[tilespmem:s15+$0xFFFFFFC0] =	vst v8;
	v8 =	vunpack.i.u.s16.s32 v5;
	v5 =	vunpack.i.l.s16.s32 v5  }
0x3d: {  	p1 =	slt.u32 s18, $0x7E;
	v9 =	vld [tilespmem:s19+$0x0];
	[tilespmem:s15+$0x40] =	vst v7;
	v4 =	vpack.i.b32.b16 v5, v4;
	v5 =	vunpack.i.u.s16.s32 v2;
	v2 =	vunpack.i.l.s16.s32 v2  }
0x3e: {  	v7 =	vld [tilespmem:s19+$0xFFFFE010];
	[tilespmem:s15+$0xFFFFFFD0] =	vst v4;
	v4 =	vpack.i.b32.b16 v8, v10;
	v8 =	vunpack.i.u.s16.s32 v3;
	v3 =	vunpack.i.l.s16.s32 v3  }
0x3f: {  	v10 =	vld [tilespmem:s19+$0x10];
	v13 =	vunpack.i.u.s16.s32 v6;
	v6 =	vunpack.i.l.s16.s32 v6;
	[tilespmem:s15+$0x50] =	vst v4;
	v2 =	vpack.i.b32.b16 v3, v2  }
0x40: {  	v3 =	vld [tilespmem:s19+$0xFFFFE020];
	v4 =	vunpack.i.l.s16.s32 v12;
	v1 =	vpack.i.b32.b16 v1, v6;
	v6 =	vpack.i.b32.b16 v0, v13;
	[tilespmem:s15+$0xFFFFFFE0] =	vst v2  }
0x41: {  	v12 =	vunpack.i.u.s16.s32 v12;
	v2 =	vld [tilespmem:s19+$0x20];
	v13 =	vunpack.i.u.s16.s32 v11;
	v11 =	vunpack.i.l.s16.s32 v11;
	[tilespmem:s15+$0xFFFFFF80] =	vst v1  }
0x42: {  	s15 =	sadd.s32 $0x100, s15;
	v0 =	vunpack.i.u.s16.s32 v9;
	v1 =	vunpack.i.l.s16.s32 v9;
	v9 =	vld [tilespmem:s19+$0xFFFFE030];
	v12 =	vpack.i.b32.b16 v13, v12;
	[tilespmem:s17+$0x0] =	vst v6  }
0x43: {  	v5 =	vpack.i.b32.b16 v8, v5;
	v6 =	vunpack.i.u.s16.s32 v7;
	v7 =	vunpack.i.l.s16.s32 v7;
	v13 =	vld [tilespmem:s19+$0x30];
	[tilespmem:s15+$0x70] =	vst v12  }
0x44: {  	v4 =	vpack.i.b32.b16 v11, v4;
	v8 =	vunpack.i.u.s16.s32 v10;
	v10 =	vunpack.i.l.s16.s32 v10;
	v12 =	vld [tilespmem:s19+$0xFFFFE040];
	[tilespmem:s17+$0x60] =	vst v5;
	s17 =	smov.u32 s15  }
0x45: {  	v5 =	vpack.i.b32.b16 v10, v7;
	v7 =	vunpack.i.u.s16.s32 v3;
	v3 =	vunpack.i.l.s16.s32 v3;
	v11 =	vld [tilespmem:s19+$0x40];
	[tilespmem:s15+$0xFFFFFFF0] =	vst v4  }
.Ltmp3:
0x46: {  	[tilespmem:s15+$0xFFFFFF90] =	vst v5;
	v5 =	vpack.i.b32.b16 v8, v6;
	v6 =	vunpack.i.u.s16.s32 v2;
	v2 =	vunpack.i.l.s16.s32 v2;
	v4 =	vld [tilespmem:s19+$0xFFFFE050];
	(pc) =	sbr.rel @p1 .LBB1_3-.Ltmp3, $4  }
0x47: {  	[tilespmem:s15+$0x10] =	vst v5;
	v2 =	vpack.i.b32.b16 v2, v3;
	v10 =	vunpack.i.u.s16.s32 v9;
	v3 =	vunpack.i.l.s16.s32 v9;
	v5 =	vld [tilespmem:s19+$0x50]  }
0x48: {  	v6 =	vpack.i.b32.b16 v6, v7;
	[tilespmem:s15+$0xFFFFFFA0] =	vst v2;
	v9 =	vunpack.i.u.s16.s32 v13;
	v7 =	vunpack.i.l.s16.s32 v13;
	v2 =	vld [tilespmem:s19+$0xFFFFE060]  }
0x49: {  	[tilespmem:s15+$0x20] =	vst v6;
	v13 =	vpack.i.b32.b16 v7, v3;
	v7 =	vunpack.i.u.s16.s32 v12;
	v8 =	vunpack.i.l.s16.s32 v12;
	v3 =	vld [tilespmem:s19+$0x60]  }
0x4a: {  	v10 =	vpack.i.b32.b16 v9, v10;
	v6 =	vld [tilespmem:s19+$0xFFFFE000];
	[tilespmem:s15+$0xFFFFFFB0] =	vst v13;
	v9 =	vunpack.i.u.s16.s32 v11;
	v11 =	vunpack.i.l.s16.s32 v11;
	s19 =	sadd.s32 $0x80, s19  }
0x4b: {  	[tilespmem:s15+$0x30] =	vst v10;
	v8 =	vpack.i.b32.b16 v11, v8  }
0x4c: {  	v51 =	vunpack.i.l.s16.s32 v4;
	v7 =	vpack.i.b32.b16 v9, v7;
	[tilespmem:s15+$0xFFFFFFC0] =	vst v8;
	v52 =	vunpack.i.l.s16.s32 v5  }
0x4d: {  	v53 =	vunpack.i.u.s16.s32 v4;
	v54 =	vunpack.i.u.s16.s32 v5;
	[tilespmem:s15+$0x40] =	vst v7;
	v55 =	vpack.i.b32.b16 v52, v51  }
0x4e: {  	v56 =	vunpack.i.l.s16.s32 v2;
	v4 =	vpack.i.b32.b16 v54, v53;
	[tilespmem:s15+$0xFFFFFFD0] =	vst v55;
	v57 =	vunpack.i.l.s16.s32 v3  }
0x4f: {  	s14 =	smul.u32 $0x14000, s14;
	[tilespmem:s15+$0x50] =	vst v4;
	v58 =	vunpack.i.l.s16.s32 v6;
	v59 =	vpack.i.b32.b16 v57, v56  }
.Ltmp4:
0x50: {  	v61 =	vunpack.i.u.s16.s32 v2;
	v62 =	vunpack.i.u.s16.s32 v3;
	v1 =	vpack.i.b32.b16 v1, v58;
	[tilespmem:s15+$0xFFFFFFE0] =	vst v59;
	(pc) =	sbr.rel .LBB1_5-.Ltmp4, $4  }
0x51: {  	s12 =	sshll.u32 s12, $0x7;
	s13 =	sshll.u32 s13, $0x3;
	s14 =	sadd.s32 s4, s14;
	v60 =	vunpack.i.u.s16.s32 v6;
	v63 =	vpack.i.b32.b16 v62, v61;
	[tilespmem:s15+$0xFFFFFF80] =	vst v1  }
0x52: {  	s13 =	sand.u32 $0x70, s13;
	s12 =	sadd.s32 s12, s14;
	v0 =	vpack.i.b32.b16 v0, v60;
	[tilespmem:s17+$0x60] =	vst v63  }
0x53: {  	s12 =	sadd.s32 s13, s12;
	[tilespmem:s17+$0x0] =	vst v0  }
0x54: {  	[hbm4b:s12+s6] =	stream.strided.scatter [tilespmem:s16], [sflag:$0x2], $0x4000, s7, s6, $0x38;
	[tilespmem:$0x10000] =	vst v63  }
.LBB1_6:
0x55: {  	_ =	sfence.sel $0x180000  }
0x56: {  	s2 =	simm.s32 $0x1;
	[bflag:$0x0] =	sbarrier.arrive $0xFFFF  }
0x57: {  	s31 =	simm.s32 $0x2;
	[sflag:s2] =	ssyncpa.u1 $0x1  }
0x58: {  	[sflag:s31] =	ssyncpa.u1 $0x1  }
0x59: {  	p0 =	sne.s32 s1, $0x0;
	_ =	strace $0x9000004D  }
0x5a: {  	s0 =	sadd.s32 @!p0 $0x100000, s0;
	[bflag:$0x2] =	sbarrier.arrive $0xFFFF  }
0x5b: {  	[sflag:s0] =	ssyncadd.tile.s32 @!p0 $0x1;
	_ =	shalt  }
.Lfunc_end1:
_tile_overlayer_lowered:
.L_overlay_start_2:
0x5c: {  	(tag) =	ssettag $0x2  }
0x5d: {  	s0 =	rddreg [dreg:$0x0];
	s2 =	stileid.u32  }
0x5e: {  	s1 =	rddreg [dreg:$0x1];
	p0 =	sne.s32 s2, $0x0  }
0x5f: {  	s3 =	rddreg [dreg:$0x2];
	[bflag:$0x3] =	sbarrier.arrive $0xFFFF;
	s2 =	simm.s32 @!p0 $0x1C01  }
0x60: {  	[timem:s3], [sflag:s2] =	dma.local @!p0 [hbm:s0], s1  }
0x61: {  	s0 =	simm.s32 @!p0 $0x1  }
0x62: {  	_ =	swait.ge @!p0 [sflag:s0], s1  }
0x63: {  	s1 =	ssub.s32 @!p0 $0x0, s1;
	[sflag:s0] =	ssyncset.done @!p0 $0x0  }
0x64: {  	[sflag:s0] =	ssyncadd.s32 @!p0 s1  }
0x65: {  	[bflag:$0x3] =	sbarrier.arrive $0xFFFF  }
0x66: {  	_ =	shalt  }

</sc_bundles>
